<compile_context>
chip_gen: v7x
topology: tpu7x:2x2x1
jax: 0.10.2.dev20260603
libtpu: 0.0.44.dev20260713+nightly
codegen_flags: <defaults>
</compile_context>

<pallas_src>
import functools

import jax
import jax.numpy as jnp
from jax import lax
from jax.experimental import pallas as pl
from jax.experimental.pallas import tpu as pltpu
from jax.experimental.pallas import tpu_sc as plsc

NC = 2
NS = 16
L = 16
CHUNK = 128

F32 = jnp.float32


def _mesh():
    return plsc.VectorSubcoreMesh(
        core_axis_name="c", subcore_axis_name="s", num_cores=NC, num_subcores=NS
    )


def _make_deg_kernel(npad, nch):
    rows = npad // NS

    @functools.partial(
        pl.kernel,
        out_type=jax.ShapeDtypeStruct((NC, npad), F32),
        mesh=_mesh(),
        scratch_types=[
            pltpu.VMEM((nch, CHUNK), jnp.int32),
            pltpu.VMEM((CHUNK,), F32),
            pltpu.VMEM((rows,), F32),
            pltpu.VMEM_SHARED((npad,), F32),
        ],
    )
    def deg_kernel(dst3, deg_out, idx_v, ones_v, buf_v, acc):
        c = lax.axis_index("c")
        s = lax.axis_index("s")
        w = c * NS + s

        def fill_ones(i, _):
            ones_v[pl.ds(i * L, L)] = jnp.ones((L,), F32)
            return 0

        lax.fori_loop(0, CHUNK // L, fill_ones, 0)

        def fill_zero(i, _):
            buf_v[pl.ds(i * L, L)] = jnp.zeros((L,), F32)
            return 0

        lax.fori_loop(0, rows // L, fill_zero, 0)
        pltpu.sync_copy(buf_v, acc.at[pl.ds(s * rows, rows)])
        plsc.subcore_barrier()

        pltpu.sync_copy(dst3.at[w], idx_v)

        def step(j, _):
            pltpu.sync_copy(ones_v, acc.at[idx_v.at[j]], add=True)
            return 0

        lax.fori_loop(0, nch, step, 0)
        plsc.subcore_barrier()

        pltpu.sync_copy(acc.at[pl.ds(s * rows, rows)],
                        deg_out.at[c, pl.ds(s * rows, rows)])

    return deg_kernel


def _make_agg_kernel(n, d, npad, nch):
    rows = npad // NS
    bb = 64
    passes = rows // bb

    @functools.partial(
        pl.kernel,
        out_type=jax.ShapeDtypeStruct((NC, npad, d), F32),
        mesh=_mesh(),
        scratch_types=[
            pltpu.VMEM((nch, CHUNK), jnp.int32),
            pltpu.VMEM((nch, CHUNK), jnp.int32),
            pltpu.VMEM((CHUNK, d), F32),
            pltpu.VMEM((bb, d), F32),
            pltpu.VMEM_SHARED((npad, d), F32),
        ],
    )
    def agg_kernel(y_hbm, src3, dst3, agg_out, src_v, dst_v, rows_v, buf_v, acc):
        c = lax.axis_index("c")
        s = lax.axis_index("s")
        w = c * NS + s

        def fillz(i, _):
            for k in range(d // L):
                buf_v[i, pl.ds(k * L, L)] = jnp.zeros((L,), F32)
            return 0

        lax.fori_loop(0, bb, fillz, 0)

        def zstep(p, _):
            pltpu.sync_copy(buf_v, acc.at[pl.ds(s * rows + p * bb, bb)])
            return 0

        lax.fori_loop(0, passes, zstep, 0)
        plsc.subcore_barrier()

        pltpu.sync_copy(src3.at[w], src_v)
        pltpu.sync_copy(dst3.at[w], dst_v)

        def step(j, _):
            pltpu.sync_copy(y_hbm.at[src_v.at[j]], rows_v)
            pltpu.sync_copy(rows_v, acc.at[dst_v.at[j]], add=True)
            return 0

        lax.fori_loop(0, nch, step, 0)
        plsc.subcore_barrier()

        pltpu.sync_copy(acc.at[pl.ds(s * rows, rows)],
                        agg_out.at[c, pl.ds(s * rows, rows)])

    return agg_kernel


def _tc1_body(deg_ref, x_ref, w_ref, dinv_ref, y_ref):
    n = x_ref.shape[0]
    deg = deg_ref[0, :n] + deg_ref[1, :n] + 1.0
    dinv = lax.rsqrt(deg)[:, None]
    dinv_ref[...] = dinv
    xw = jnp.dot(x_ref[...], w_ref[...], preferred_element_type=F32)
    y_ref[...] = xw * dinv


def _tc2_body(dinv_ref, aggp_ref, y1_ref, b1_ref, w_ref, y2_ref):
    n = y1_ref.shape[0]
    dinv = dinv_ref[...]
    agg = aggp_ref[0, :n, :] + aggp_ref[1, :n, :]
    h = jnp.maximum(dinv * (agg + y1_ref[...]) + b1_ref[...][None, :], 0.0)
    y2_ref[...] = jnp.dot(h, w_ref[...], preferred_element_type=F32) * dinv


def _tc3_body(dinv_ref, aggp_ref, y2_ref, b2_ref, out_ref):
    n = y2_ref.shape[0]
    agg = aggp_ref[0, :n, :] + aggp_ref[1, :n, :]
    out_ref[...] = dinv_ref[...] * (agg + y2_ref[...]) + b2_ref[...][None, :]


def kernel(x, edge_index, W1, b1, W2, b2):
    n, d = x.shape
    e = edge_index.shape[1]
    per = NC * NS * CHUNK
    nch = -(-e // per)
    ep = nch * per
    npad = -(-(n + 1) // (NS * L)) * (NS * L)

    src = edge_index[0]
    dst = edge_index[1]
    pad = ep - e
    if pad > 0:
        src = jnp.concatenate([src, jnp.zeros((pad,), jnp.int32)])
        dst = jnp.concatenate([dst, jnp.full((pad,), n, jnp.int32)])
    src3 = src.reshape(NC * NS, nch, CHUNK)
    dst3 = dst.reshape(NC * NS, nch, CHUNK)

    deg_p = _make_deg_kernel(npad, nch)(dst3)

    tc1 = pl.pallas_call(
        _tc1_body,
        out_shape=(
            jax.ShapeDtypeStruct((n, 1), F32),
            jax.ShapeDtypeStruct((n, d), F32),
        ),
    )
    dinv, y1 = tc1(deg_p, x, W1)

    agg_call = _make_agg_kernel(n, d, npad, nch)
    agg1_p = agg_call(y1, src3, dst3)

    tc2 = pl.pallas_call(
        _tc2_body,
        out_shape=jax.ShapeDtypeStruct((n, d), F32),
    )
    y2 = tc2(dinv, agg1_p, y1, b1, W2)

    agg2_p = agg_call(y2, src3, dst3)

    tc3 = pl.pallas_call(
        _tc3_body,
        out_shape=jax.ShapeDtypeStruct((n, d), F32),
    )
    return tc3(dinv, agg2_p, y2, b2)

# --- scband reference (transcript-rebuilt; emitter-appended) ---
"""Pipeline reference for scband-gcn-42649025249306 (READ-ONLY COPY).

The authoritative reference and input builder live on the scoring server;
editing this copy changes nothing except your own understanding.
"""

import jax, jax.numpy as jnp
import numpy as np

N = 10000
E = 320000
D = 128

def setup_inputs(seed: int = 0) -> dict:
    key = jax.random.key(seed)
    k1, k2, k3, k4 = jax.random.split(key, 4)
    x = jax.random.normal(k1, (N, D), dtype=jnp.float32)
    edge_index = jax.random.randint(k2, (2, E), 0, N, dtype=jnp.int32)
    s = 1.0 / np.sqrt(D)
    W1 = jax.random.normal(k3, (D, D), dtype=jnp.float32) * s
    b1 = jnp.zeros((D,), dtype=jnp.float32)
    W2 = jax.random.normal(k4, (D, D), dtype=jnp.float32) * s
    b2 = jnp.zeros((D,), dtype=jnp.float32)
    return {"x": x, "edge_index": edge_index, "W1": W1, "b1": b1, "W2": W2, "b2": b2}

def _gcn_conv(x, src, dst, norm, W, b):
    # GCNConv: x' = D^{-1/2} (A + I) D^{-1/2} x W + b
    xw = x @ W
    msg = jnp.take(xw, src, axis=0) * norm[:, None]
    out = jnp.zeros_like(xw).at[dst].add(msg)
    return out + b

def reference(x, edge_index, W1, b1, W2, b2):
    n = x.shape[0]
    loop = jnp.arange(n, dtype=edge_index.dtype)
    src = jnp.concatenate([edge_index[0], loop])
    dst = jnp.concatenate([edge_index[1], loop])
    deg = jnp.zeros((n,), dtype=x.dtype).at[dst].add(1.0)
    dinv = jnp.where(deg > 0, 1.0 / jnp.sqrt(deg), 0.0)
    norm = jnp.take(dinv, src) * jnp.take(dinv, dst)
    h = _gcn_conv(x, src, dst, norm, W1, b1)
    h = jax.nn.relu(h)
    out = _gcn_conv(h, src, dst, norm, W2, b2)
    return out

if __name__ == "__main__":
    import jax
    _d = setup_inputs()
    print(jax.jit(kernel)(*tuple(_d.values())))

</pallas_src>

<mosaic_0001>
#map = affine_map<(d0, d1) -> (0, 0)>
#map1 = affine_map<(d0, d1) -> (0, 0, 0)>
module attributes {stable_mosaic.version = 14 : i64} {
  func.func @agg_kernel(%arg0: i32, %arg1: i32, %arg2: memref<10000x128xf32, #tpu.memory_space<hbm>>, %arg3: memref<32x79x128xi32, #tpu.memory_space<hbm>>, %arg4: memref<32x79x128xi32, #tpu.memory_space<hbm>>, %arg5: memref<2x10240x128xf32, #tpu.memory_space<hbm>>, %arg6: memref<79x128xi32, #tpu.memory_space<vmem>>, %arg7: memref<79x128xi32, #tpu.memory_space<vmem>>, %arg8: memref<128x128xf32, #tpu.memory_space<vmem>>, %arg9: memref<64x128xf32, #tpu.memory_space<vmem>>, %arg10: memref<10240x128xf32, #tpu.memory_space<vmem_shared>>) attributes {dimension_semantics = [#tpu.dimension_semantics<core_parallel>, #tpu.dimension_semantics<subcore_parallel>], iteration_bounds = array<i64: 2, 16>, scalar_prefetch = 0 : i64, scratch_operands = 5 : i64, tpu.core_type = #tpu.core_type<sc_vector_subcore>, window_params = [{transform_indices = #map}, {transform_indices = #map1}, {transform_indices = #map1}, {transform_indices = #map1}]} {
    %mul3A = arith.constant 16 : i32
    %mul3A_0 = arith.muli %arg0, %mul3A : i32
    %add3A = arith.addi %mul3A_0, %arg1 : i32
    %scan3A = arith.constant 0 : i32
    %scan3A_1 = arith.constant 0 : i32
    %scan3A_2 = arith.constant 64 : i32
    %scan3A_3 = arith.addi %scan3A_1, %scan3A_2 : i32
    %scan3A_4 = arith.constant 1 : i32
    %scan3A_5 = scf.for %scan3A_26 = %scan3A_1 to %scan3A_3 step %scan3A_4 iter_args(%scan3A_27 = %scan3A) -> (i32)  : i32 {
      %broadcast_in_dim3A = arith.constant 0.000000e+00 : f32
      %broadcast_in_dim3A_28 = vector.broadcast %broadcast_in_dim3A : f32 to vector<16xf32>
      %swap3A = arith.index_cast %scan3A_26 : i32 to index
      %swap3A_29 = arith.constant 0 : index
      %swap3A_30 = tpu.vector_load %arg9[%swap3A, %swap3A_29] {strides = array<i32>} : memref<64x128xf32, #tpu.memory_space<vmem>>, vector<1x16xf32>,
      %swap3A_31 = vector.shape_cast %swap3A_30 : vector<1x16xf32> to vector<16xf32>
      %swap3A_32 = vector.shape_cast %broadcast_in_dim3A_28 : vector<16xf32> to vector<1x16xf32>
      tpu.vector_store %arg9[%swap3A, %swap3A_29], %swap3A_32 {strides = array<i32>} : memref<64x128xf32, #tpu.memory_space<vmem>>, vector<1x16xf32>,
      %broadcast_in_dim3A_33 = arith.constant 0.000000e+00 : f32
      %broadcast_in_dim3A_34 = vector.broadcast %broadcast_in_dim3A_33 : f32 to vector<16xf32>
      %swap3A_35 = arith.index_cast %scan3A_26 : i32 to index
      %swap3A_36 = arith.constant 16 : index
      %swap3A_37 = tpu.vector_load %arg9[%swap3A_35, %swap3A_36] {strides = array<i32>} : memref<64x128xf32, #tpu.memory_space<vmem>>, vector<1x16xf32>,
      %swap3A_38 = vector.shape_cast %swap3A_37 : vector<1x16xf32> to vector<16xf32>
      %swap3A_39 = vector.shape_cast %broadcast_in_dim3A_34 : vector<16xf32> to vector<1x16xf32>
      tpu.vector_store %arg9[%swap3A_35, %swap3A_36], %swap3A_39 {strides = array<i32>} : memref<64x128xf32, #tpu.memory_space<vmem>>, vector<1x16xf32>,
      %broadcast_in_dim3A_40 = arith.constant 0.000000e+00 : f32
      %broadcast_in_dim3A_41 = vector.broadcast %broadcast_in_dim3A_40 : f32 to vector<16xf32>
      %swap3A_42 = arith.index_cast %scan3A_26 : i32 to index
      %swap3A_43 = arith.constant 32 : index
      %swap3A_44 = tpu.vector_load %arg9[%swap3A_42, %swap3A_43] {strides = array<i32>} : memref<64x128xf32, #tpu.memory_space<vmem>>, vector<1x16xf32>,
      %swap3A_45 = vector.shape_cast %swap3A_44 : vector<1x16xf32> to vector<16xf32>
      %swap3A_46 = vector.shape_cast %broadcast_in_dim3A_41 : vector<16xf32> to vector<1x16xf32>
      tpu.vector_store %arg9[%swap3A_42, %swap3A_43], %swap3A_46 {strides = array<i32>} : memref<64x128xf32, #tpu.memory_space<vmem>>, vector<1x16xf32>,
      %broadcast_in_dim3A_47 = arith.constant 0.000000e+00 : f32
      %broadcast_in_dim3A_48 = vector.broadcast %broadcast_in_dim3A_47 : f32 to vector<16xf32>
      %swap3A_49 = arith.index_cast %scan3A_26 : i32 to index
      %swap3A_50 = arith.constant 48 : index
      %swap3A_51 = tpu.vector_load %arg9[%swap3A_49, %swap3A_50] {strides = array<i32>} : memref<64x128xf32, #tpu.memory_space<vmem>>, vector<1x16xf32>,
      %swap3A_52 = vector.shape_cast %swap3A_51 : vector<1x16xf32> to vector<16xf32>
      %swap3A_53 = vector.shape_cast %broadcast_in_dim3A_48 : vector<16xf32> to vector<1x16xf32>
      tpu.vector_store %arg9[%swap3A_49, %swap3A_50], %swap3A_53 {strides = array<i32>} : memref<64x128xf32, #tpu.memory_space<vmem>>, vector<1x16xf32>,
      %broadcast_in_dim3A_54 = arith.constant 0.000000e+00 : f32
      %broadcast_in_dim3A_55 = vector.broadcast %broadcast_in_dim3A_54 : f32 to vector<16xf32>
      %swap3A_56 = arith.index_cast %scan3A_26 : i32 to index
      %swap3A_57 = arith.constant 64 : index
      %swap3A_58 = tpu.vector_load %arg9[%swap3A_56, %swap3A_57] {strides = array<i32>} : memref<64x128xf32, #tpu.memory_space<vmem>>, vector<1x16xf32>,
      %swap3A_59 = vector.shape_cast %swap3A_58 : vector<1x16xf32> to vector<16xf32>
      %swap3A_60 = vector.shape_cast %broadcast_in_dim3A_55 : vector<16xf32> to vector<1x16xf32>
      tpu.vector_store %arg9[%swap3A_56, %swap3A_57], %swap3A_60 {strides = array<i32>} : memref<64x128xf32, #tpu.memory_space<vmem>>, vector<1x16xf32>,
      %broadcast_in_dim3A_61 = arith.constant 0.000000e+00 : f32
      %broadcast_in_dim3A_62 = vector.broadcast %broadcast_in_dim3A_61 : f32 to vector<16xf32>
      %swap3A_63 = arith.index_cast %scan3A_26 : i32 to index
      %swap3A_64 = arith.constant 80 : index
      %swap3A_65 = tpu.vector_load %arg9[%swap3A_63, %swap3A_64] {strides = array<i32>} : memref<64x128xf32, #tpu.memory_space<vmem>>, vector<1x16xf32>,
      %swap3A_66 = vector.shape_cast %swap3A_65 : vector<1x16xf32> to vector<16xf32>
      %swap3A_67 = vector.shape_cast %broadcast_in_dim3A_62 : vector<16xf32> to vector<1x16xf32>
      tpu.vector_store %arg9[%swap3A_63, %swap3A_64], %swap3A_67 {strides = array<i32>} : memref<64x128xf32, #tpu.memory_space<vmem>>, vector<1x16xf32>,
      %broadcast_in_dim3A_68 = arith.constant 0.000000e+00 : f32
      %broadcast_in_dim3A_69 = vector.broadcast %broadcast_in_dim3A_68 : f32 to vector<16xf32>
      %swap3A_70 = arith.index_cast %scan3A_26 : i32 to index
      %swap3A_71 = arith.constant 96 : index
      %swap3A_72 = tpu.vector_load %arg9[%swap3A_70, %swap3A_71] {strides = array<i32>} : memref<64x128xf32, #tpu.memory_space<vmem>>, vector<1x16xf32>,
      %swap3A_73 = vector.shape_cast %swap3A_72 : vector<1x16xf32> to vector<16xf32>
      %swap3A_74 = vector.shape_cast %broadcast_in_dim3A_69 : vector<16xf32> to vector<1x16xf32>
      tpu.vector_store %arg9[%swap3A_70, %swap3A_71], %swap3A_74 {strides = array<i32>} : memref<64x128xf32, #tpu.memory_space<vmem>>, vector<1x16xf32>,
      %broadcast_in_dim3A_75 = arith.constant 0.000000e+00 : f32
      %broadcast_in_dim3A_76 = vector.broadcast %broadcast_in_dim3A_75 : f32 to vector<16xf32>
      %swap3A_77 = arith.index_cast %scan3A_26 : i32 to index
      %swap3A_78 = arith.constant 112 : index
      %swap3A_79 = tpu.vector_load %arg9[%swap3A_77, %swap3A_78] {strides = array<i32>} : memref<64x128xf32, #tpu.memory_space<vmem>>, vector<1x16xf32>,
      %swap3A_80 = vector.shape_cast %swap3A_79 : vector<1x16xf32> to vector<16xf32>
      %swap3A_81 = vector.shape_cast %broadcast_in_dim3A_76 : vector<16xf32> to vector<1x16xf32>
      tpu.vector_store %arg9[%swap3A_77, %swap3A_78], %swap3A_81 {strides = array<i32>} : memref<64x128xf32, #tpu.memory_space<vmem>>, vector<1x16xf32>,
      %scan3A_82 = arith.constant 0 : i32
      scf.yield %scan3A_82 : i32
    }
    %scan3A_6 = arith.constant 64 : i32
    %scan3A_7 = arith.constant 0 : i32
    %scan3A_8 = arith.constant 0 : i32
    %scan3A_9 = arith.constant 10 : i32
    %scan3A_10 = arith.addi %scan3A_8, %scan3A_9 : i32
    %scan3A_11 = arith.constant 1 : i32
    %scan3A_12 = scf.for %scan3A_26 = %scan3A_8 to %scan3A_10 step %scan3A_11 iter_args(%scan3A_27 = %scan3A_7) -> (i32)  : i32 {
      %mul3A_28 = arith.constant 640 : i32
      %mul3A_29 = arith.muli %arg1, %mul3A_28 : i32
      %mul3A_30 = arith.constant 64 : i32
      %mul3A_31 = arith.muli %scan3A_26, %mul3A_30 : i32
      %add3A_32 = arith.addi %mul3A_29, %mul3A_31 : i32
      "tpu.region"() ({
        %run_scoped3A = tpu.sem_alloc : memref<!tpu.dma_semaphore, #tpu.memory_space<semaphore_mem>>
        %dma_start3A = arith.constant 0 : i32
        %dma_start3A_34 = tpu.memref_slice %arg10[%add3A_32, %dma_start3A] : memref<10240x128xf32, #tpu.memory_space<vmem_shared>> -> memref<64x128xf32, #tpu.memory_space<vmem_shared>>
        %dma_start3A_35 = arith.constant 0 : i32
        %dma_start3A_36 = tpu.memref_slice %arg10[%add3A_32, %dma_start3A_35] : memref<10240x128xf32, #tpu.memory_space<vmem_shared>> -> memref<64x128xf32, #tpu.memory_space<vmem_shared>>
        tpu.enqueue_dma source(%arg9 : memref<64x128xf32, #tpu.memory_space<vmem>>) target(%dma_start3A_36 : memref<64x128xf32, #tpu.memory_space<vmem_shared>>) target_semaphore(%run_scoped3A : memref<!tpu.dma_semaphore, #tpu.memory_space<semaphore_mem>>)
        %dma_wait3A = arith.constant 0 : i32
        %dma_wait3A_37 = tpu.memref_slice %arg10[%add3A_32, %dma_wait3A] : memref<10240x128xf32, #tpu.memory_space<vmem_shared>> -> memref<64x128xf32, #tpu.memory_space<vmem_shared>>
        %dma_wait3A_38 = arith.constant 0 : i32
        %dma_wait3A_39 = tpu.memref_slice %arg10[%add3A_32, %dma_wait3A_38] : memref<10240x128xf32, #tpu.memory_space<vmem_shared>> -> memref<64x128xf32, #tpu.memory_space<vmem_shared>>
        tpu.wait_dma2 semaphore(%run_scoped3A : memref<!tpu.dma_semaphore, #tpu.memory_space<semaphore_mem>>) src(%arg9 : memref<64x128xf32, #tpu.memory_space<vmem>>) dst(%dma_wait3A_39 : memref<64x128xf32, #tpu.memory_space<vmem_shared>>)
        tpu.yield
      }) : () -> ()
      %scan3A_33 = arith.constant 0 : i32
      scf.yield %scan3A_33 : i32
    }
    %scan3A_13 = arith.constant 10 : i32
    %barrier3A = arith.constant 0 : index
    tpu.barrier barrier_id(%barrier3A)
    "tpu.region"() ({
      %run_scoped3A = tpu.sem_alloc : memref<!tpu.dma_semaphore, #tpu.memory_space<semaphore_mem>>
      %dma_start3A = arith.constant 0 : i32
      %dma_start3A_26 = arith.constant 0 : i32
      %dma_start3A_27 = tpu.memref_slice %arg3[%add3A, %dma_start3A, %dma_start3A_26] : memref<32x79x128xi32, #tpu.memory_space<hbm>> -> memref<1x79x128xi32, #tpu.memory_space<hbm>>
      %dma_start3A_28 = tpu.memref_squeeze %dma_start3A_27 : memref<1x79x128xi32, #tpu.memory_space<hbm>> -> memref<79x128xi32, #tpu.memory_space<hbm>>
      %dma_start3A_29 = arith.constant 0 : i32
      %dma_start3A_30 = arith.constant 0 : i32
      %dma_start3A_31 = tpu.memref_slice %arg3[%add3A, %dma_start3A_29, %dma_start3A_30] : memref<32x79x128xi32, #tpu.memory_space<hbm>> -> memref<1x79x128xi32, #tpu.memory_space<hbm>>
      %dma_start3A_32 = tpu.memref_squeeze %dma_start3A_31 : memref<1x79x128xi32, #tpu.memory_space<hbm>> -> memref<79x128xi32, #tpu.memory_space<hbm>>
      tpu.enqueue_dma source(%dma_start3A_32 : memref<79x128xi32, #tpu.memory_space<hbm>>) target(%arg6 : memref<79x128xi32, #tpu.memory_space<vmem>>) target_semaphore(%run_scoped3A : memref<!tpu.dma_semaphore, #tpu.memory_space<semaphore_mem>>)
      %dma_wait3A = arith.constant 0 : i32
      %dma_wait3A_33 = arith.constant 0 : i32
      %dma_wait3A_34 = tpu.memref_slice %arg3[%add3A, %dma_wait3A, %dma_wait3A_33] : memref<32x79x128xi32, #tpu.memory_space<hbm>> -> memref<1x79x128xi32, #tpu.memory_space<hbm>>
      %dma_wait3A_35 = tpu.memref_squeeze %dma_wait3A_34 : memref<1x79x128xi32, #tpu.memory_space<hbm>> -> memref<79x128xi32, #tpu.memory_space<hbm>>
      %dma_wait3A_36 = arith.constant 0 : i32
      %dma_wait3A_37 = arith.constant 0 : i32
      %dma_wait3A_38 = tpu.memref_slice %arg3[%add3A, %dma_wait3A_36, %dma_wait3A_37] : memref<32x79x128xi32, #tpu.memory_space<hbm>> -> memref<1x79x128xi32, #tpu.memory_space<hbm>>
      %dma_wait3A_39 = tpu.memref_squeeze %dma_wait3A_38 : memref<1x79x128xi32, #tpu.memory_space<hbm>> -> memref<79x128xi32, #tpu.memory_space<hbm>>
      tpu.wait_dma2 semaphore(%run_scoped3A : memref<!tpu.dma_semaphore, #tpu.memory_space<semaphore_mem>>) src(%dma_wait3A_39 : memref<79x128xi32, #tpu.memory_space<hbm>>) dst(%arg6 : memref<79x128xi32, #tpu.memory_space<vmem>>)
      tpu.yield
    }) : () -> ()
    "tpu.region"() ({
      %run_scoped3A = tpu.sem_alloc : memref<!tpu.dma_semaphore, #tpu.memory_space<semaphore_mem>>
      %dma_start3A = arith.constant 0 : i32
      %dma_start3A_26 = arith.constant 0 : i32
      %dma_start3A_27 = tpu.memref_slice %arg4[%add3A, %dma_start3A, %dma_start3A_26] : memref<32x79x128xi32, #tpu.memory_space<hbm>> -> memref<1x79x128xi32, #tpu.memory_space<hbm>>
      %dma_start3A_28 = tpu.memref_squeeze %dma_start3A_27 : memref<1x79x128xi32, #tpu.memory_space<hbm>> -> memref<79x128xi32, #tpu.memory_space<hbm>>
      %dma_start3A_29 = arith.constant 0 : i32
      %dma_start3A_30 = arith.constant 0 : i32
      %dma_start3A_31 = tpu.memref_slice %arg4[%add3A, %dma_start3A_29, %dma_start3A_30] : memref<32x79x128xi32, #tpu.memory_space<hbm>> -> memref<1x79x128xi32, #tpu.memory_space<hbm>>
      %dma_start3A_32 = tpu.memref_squeeze %dma_start3A_31 : memref<1x79x128xi32, #tpu.memory_space<hbm>> -> memref<79x128xi32, #tpu.memory_space<hbm>>
      tpu.enqueue_dma source(%dma_start3A_32 : memref<79x128xi32, #tpu.memory_space<hbm>>) target(%arg7 : memref<79x128xi32, #tpu.memory_space<vmem>>) target_semaphore(%run_scoped3A : memref<!tpu.dma_semaphore, #tpu.memory_space<semaphore_mem>>)
      %dma_wait3A = arith.constant 0 : i32
      %dma_wait3A_33 = arith.constant 0 : i32
      %dma_wait3A_34 = tpu.memref_slice %arg4[%add3A, %dma_wait3A, %dma_wait3A_33] : memref<32x79x128xi32, #tpu.memory_space<hbm>> -> memref<1x79x128xi32, #tpu.memory_space<hbm>>
      %dma_wait3A_35 = tpu.memref_squeeze %dma_wait3A_34 : memref<1x79x128xi32, #tpu.memory_space<hbm>> -> memref<79x128xi32, #tpu.memory_space<hbm>>
      %dma_wait3A_36 = arith.constant 0 : i32
      %dma_wait3A_37 = arith.constant 0 : i32
      %dma_wait3A_38 = tpu.memref_slice %arg4[%add3A, %dma_wait3A_36, %dma_wait3A_37] : memref<32x79x128xi32, #tpu.memory_space<hbm>> -> memref<1x79x128xi32, #tpu.memory_space<hbm>>
      %dma_wait3A_39 = tpu.memref_squeeze %dma_wait3A_38 : memref<1x79x128xi32, #tpu.memory_space<hbm>> -> memref<79x128xi32, #tpu.memory_space<hbm>>
      tpu.wait_dma2 semaphore(%run_scoped3A : memref<!tpu.dma_semaphore, #tpu.memory_space<semaphore_mem>>) src(%dma_wait3A_39 : memref<79x128xi32, #tpu.memory_space<hbm>>) dst(%arg7 : memref<79x128xi32, #tpu.memory_space<vmem>>)
      tpu.yield
    }) : () -> ()
    %scan3A_14 = arith.constant 0 : i32
    %scan3A_15 = arith.constant 0 : i32
    %scan3A_16 = arith.constant 79 : i32
    %scan3A_17 = arith.addi %scan3A_15, %scan3A_16 : i32
    %scan3A_18 = arith.constant 1 : i32
    %scan3A_19 = scf.for %scan3A_26 = %scan3A_15 to %scan3A_17 step %scan3A_18 iter_args(%scan3A_27 = %scan3A_14) -> (i32)  : i32 {
      "tpu.region"() ({
        %run_scoped3A = tpu.sem_alloc : memref<!tpu.dma_semaphore, #tpu.memory_space<semaphore_mem>>
        %dma_start3A = arith.constant 0 : i32
        %dma_start3A_29 = tpu.memref_slice %arg6[%scan3A_26, %dma_start3A] : memref<79x128xi32, #tpu.memory_space<vmem>> -> memref<1x128xi32, #tpu.memory_space<vmem>>
        %dma_start3A_30 = tpu.memref_squeeze %dma_start3A_29 : memref<1x128xi32, #tpu.memory_space<vmem>> -> memref<128xi32, #tpu.memory_space<vmem>>
        %dma_start3A_31 = arith.constant 0 : i32
        %dma_start3A_32 = arith.constant 0 : i32
        %dma_start3A_33 = tpu.memref_slice %arg2[%dma_start3A_31, %dma_start3A_32] : memref<10000x128xf32, #tpu.memory_space<hbm>> -> memref<10000x128xf32, #tpu.memory_space<hbm>>
        tpu.enqueue_indirect_dma source(%dma_start3A_33 : memref<10000x128xf32, #tpu.memory_space<hbm>>) target(%arg8 : memref<128x128xf32, #tpu.memory_space<vmem>>) offsets(%dma_start3A_30 : memref<128xi32, #tpu.memory_space<vmem>>) semaphore(%run_scoped3A : memref<!tpu.dma_semaphore, #tpu.memory_space<semaphore_mem>>)
        %dma_wait3A = arith.constant 0 : i32
        %dma_wait3A_34 = tpu.memref_slice %arg6[%scan3A_26, %dma_wait3A] : memref<79x128xi32, #tpu.memory_space<vmem>> -> memref<1x128xi32, #tpu.memory_space<vmem>>
        %dma_wait3A_35 = tpu.memref_squeeze %dma_wait3A_34 : memref<1x128xi32, #tpu.memory_space<vmem>> -> memref<128xi32, #tpu.memory_space<vmem>>
        %dma_wait3A_36 = arith.constant 0 : i32
        %dma_wait3A_37 = arith.constant 0 : i32
        %dma_wait3A_38 = tpu.memref_slice %arg2[%dma_wait3A_36, %dma_wait3A_37] : memref<10000x128xf32, #tpu.memory_space<hbm>> -> memref<10000x128xf32, #tpu.memory_space<hbm>>
        tpu.wait_indirect_dma semaphore(%run_scoped3A : memref<!tpu.dma_semaphore, #tpu.memory_space<semaphore_mem>>) src(%dma_wait3A_38 : memref<10000x128xf32, #tpu.memory_space<hbm>>) dst(%arg8 : memref<128x128xf32, #tpu.memory_space<vmem>>)
        tpu.yield
      }) : () -> ()
      "tpu.region"() ({
        %run_scoped3A = tpu.sem_alloc : memref<!tpu.dma_semaphore, #tpu.memory_space<semaphore_mem>>
        %dma_start3A = arith.constant 0 : i32
        %dma_start3A_29 = tpu.memref_slice %arg7[%scan3A_26, %dma_start3A] : memref<79x128xi32, #tpu.memory_space<vmem>> -> memref<1x128xi32, #tpu.memory_space<vmem>>
        %dma_start3A_30 = tpu.memref_squeeze %dma_start3A_29 : memref<1x128xi32, #tpu.memory_space<vmem>> -> memref<128xi32, #tpu.memory_space<vmem>>
        %dma_start3A_31 = arith.constant 0 : i32
        %dma_start3A_32 = arith.constant 0 : i32
        %dma_start3A_33 = tpu.memref_slice %arg10[%dma_start3A_31, %dma_start3A_32] : memref<10240x128xf32, #tpu.memory_space<vmem_shared>> -> memref<10240x128xf32, #tpu.memory_space<vmem_shared>>
        tpu.enqueue_indirect_dma source(%arg8 : memref<128x128xf32, #tpu.memory_space<vmem>>) target(%dma_start3A_33 : memref<10240x128xf32, #tpu.memory_space<vmem_shared>>) offsets(%dma_start3A_30 : memref<128xi32, #tpu.memory_space<vmem>>) semaphore(%run_scoped3A : memref<!tpu.dma_semaphore, #tpu.memory_space<semaphore_mem>>) {add = true}
        %dma_wait3A = arith.constant 0 : i32
        %dma_wait3A_34 = tpu.memref_slice %arg7[%scan3A_26, %dma_wait3A] : memref<79x128xi32, #tpu.memory_space<vmem>> -> memref<1x128xi32, #tpu.memory_space<vmem>>
        %dma_wait3A_35 = tpu.memref_squeeze %dma_wait3A_34 : memref<1x128xi32, #tpu.memory_space<vmem>> -> memref<128xi32, #tpu.memory_space<vmem>>
        %dma_wait3A_36 = arith.constant 0 : i32
        %dma_wait3A_37 = arith.constant 0 : i32
        %dma_wait3A_38 = tpu.memref_slice %arg10[%dma_wait3A_36, %dma_wait3A_37] : memref<10240x128xf32, #tpu.memory_space<vmem_shared>> -> memref<10240x128xf32, #tpu.memory_space<vmem_shared>>
        tpu.wait_indirect_dma semaphore(%run_scoped3A : memref<!tpu.dma_semaphore, #tpu.memory_space<semaphore_mem>>) src(%arg8 : memref<128x128xf32, #tpu.memory_space<vmem>>) dst(%dma_wait3A_38 : memref<10240x128xf32, #tpu.memory_space<vmem_shared>>)
        tpu.yield
      }) : () -> ()
      %scan3A_28 = arith.constant 0 : i32
      scf.yield %scan3A_28 : i32
    }
    %scan3A_20 = arith.constant 79 : i32
    %barrier3A_21 = arith.constant 0 : index
    tpu.barrier barrier_id(%barrier3A_21)
    %mul3A_22 = arith.constant 640 : i32
    %mul3A_23 = arith.muli %arg1, %mul3A_22 : i32
    %mul3A_24 = arith.constant 640 : i32
    %mul3A_25 = arith.muli %arg1, %mul3A_24 : i32
    "tpu.region"() ({
      %run_scoped3A = tpu.sem_alloc : memref<!tpu.dma_semaphore, #tpu.memory_space<semaphore_mem>>
      %dma_start3A = arith.constant 0 : i32
      %dma_start3A_26 = tpu.memref_slice %arg5[%arg0, %mul3A_25, %dma_start3A] : memref<2x10240x128xf32, #tpu.memory_space<hbm>> -> memref<1x640x128xf32, #tpu.memory_space<hbm>>
      %dma_start3A_27 = tpu.memref_squeeze %dma_start3A_26 : memref<1x640x128xf32, #tpu.memory_space<hbm>> -> memref<640x128xf32, #tpu.memory_space<hbm>>
      %dma_start3A_28 = arith.constant 0 : i32
      %dma_start3A_29 = tpu.memref_slice %arg10[%mul3A_23, %dma_start3A_28] : memref<10240x128xf32, #tpu.memory_space<vmem_shared>> -> memref<640x128xf32, #tpu.memory_space<vmem_shared>>
      tpu.enqueue_dma source(%dma_start3A_29 : memref<640x128xf32, #tpu.memory_space<vmem_shared>>) target(%dma_start3A_27 : memref<640x128xf32, #tpu.memory_space<hbm>>) target_semaphore(%run_scoped3A : memref<!tpu.dma_semaphore, #tpu.memory_space<semaphore_mem>>)
      %dma_wait3A = arith.constant 0 : i32
      %dma_wait3A_30 = tpu.memref_slice %arg5[%arg0, %mul3A_25, %dma_wait3A] : memref<2x10240x128xf32, #tpu.memory_space<hbm>> -> memref<1x640x128xf32, #tpu.memory_space<hbm>>
      %dma_wait3A_31 = tpu.memref_squeeze %dma_wait3A_30 : memref<1x640x128xf32, #tpu.memory_space<hbm>> -> memref<640x128xf32, #tpu.memory_space<hbm>>
      %dma_wait3A_32 = arith.constant 0 : i32
      %dma_wait3A_33 = tpu.memref_slice %arg10[%mul3A_23, %dma_wait3A_32] : memref<10240x128xf32, #tpu.memory_space<vmem_shared>> -> memref<640x128xf32, #tpu.memory_space<vmem_shared>>
      tpu.wait_dma2 semaphore(%run_scoped3A : memref<!tpu.dma_semaphore, #tpu.memory_space<semaphore_mem>>) src(%dma_wait3A_33 : memref<640x128xf32, #tpu.memory_space<vmem_shared>>) dst(%dma_wait3A_31 : memref<640x128xf32, #tpu.memory_space<hbm>>)
      tpu.yield
    }) : () -> ()
    return
  }
}

#map = affine_map<(d0, d1) -> (0, 0, 0)>
#map1 = affine_map<(d0, d1) -> (0, 0)>
module attributes {stable_mosaic.version = 14 : i64} {
  func.func @deg_kernel(%arg0: i32, %arg1: i32, %arg2: memref<32x79x128xi32, #tpu.memory_space<hbm>>, %arg3: memref<2x10240xf32, #tpu.memory_space<hbm>>, %arg4: memref<79x128xi32, #tpu.memory_space<vmem>>, %arg5: memref<128xf32, #tpu.memory_space<vmem>>, %arg6: memref<640xf32, #tpu.memory_space<vmem>>, %arg7: memref<10240xf32, #tpu.memory_space<vmem_shared>>) attributes {dimension_semantics = [#tpu.dimension_semantics<core_parallel>, #tpu.dimension_semantics<subcore_parallel>], iteration_bounds = array<i64: 2, 16>, scalar_prefetch = 0 : i64, scratch_operands = 4 : i64, tpu.core_type = #tpu.core_type<sc_vector_subcore>, window_params = [{transform_indices = #map}, {transform_indices = #map1}]} {
    %mul3A = arith.constant 16 : i32
    %mul3A_0 = arith.muli %arg0, %mul3A : i32
    %add3A = arith.addi %mul3A_0, %arg1 : i32
    %scan3A = arith.constant 0 : i32
    %scan3A_1 = arith.constant 0 : i32
    %scan3A_2 = arith.constant 8 : i32
    %scan3A_3 = arith.addi %scan3A_1, %scan3A_2 : i32
    %scan3A_4 = arith.constant 1 : i32
    %scan3A_5 = scf.for %scan3A_28 = %scan3A_1 to %scan3A_3 step %scan3A_4 iter_args(%scan3A_29 = %scan3A) -> (i32)  : i32 {
      %broadcast_in_dim3A = arith.constant 1.000000e+00 : f32
      %broadcast_in_dim3A_30 = vector.broadcast %broadcast_in_dim3A : f32 to vector<16xf32>
      %mul3A_31 = arith.constant 16 : i32
      %mul3A_32 = arith.muli %scan3A_28, %mul3A_31 : i32
      %swap3A = arith.index_cast %mul3A_32 : i32 to index
      %swap3A_33 = tpu.vector_load %arg5[%swap3A] {strides = array<i32>} : memref<128xf32, #tpu.memory_space<vmem>>, vector<16xf32>,
      %swap3A_34 = vector.shape_cast %swap3A_33 : vector<16xf32> to vector<16xf32>
      %swap3A_35 = vector.shape_cast %broadcast_in_dim3A_30 : vector<16xf32> to vector<16xf32>
      tpu.vector_store %arg5[%swap3A], %swap3A_35 {strides = array<i32>} : memref<128xf32, #tpu.memory_space<vmem>>, vector<16xf32>,
      %scan3A_36 = arith.constant 0 : i32
      scf.yield %scan3A_36 : i32
    }
    %scan3A_6 = arith.constant 8 : i32
    %scan3A_7 = arith.constant 0 : i32
    %scan3A_8 = arith.constant 0 : i32
    %scan3A_9 = arith.constant 40 : i32
    %scan3A_10 = arith.addi %scan3A_8, %scan3A_9 : i32
    %scan3A_11 = arith.constant 1 : i32
    %scan3A_12 = scf.for %scan3A_28 = %scan3A_8 to %scan3A_10 step %scan3A_11 iter_args(%scan3A_29 = %scan3A_7) -> (i32)  : i32 {
      %broadcast_in_dim3A = arith.constant 0.000000e+00 : f32
      %broadcast_in_dim3A_30 = vector.broadcast %broadcast_in_dim3A : f32 to vector<16xf32>
      %mul3A_31 = arith.constant 16 : i32
      %mul3A_32 = arith.muli %scan3A_28, %mul3A_31 : i32
      %swap3A = arith.index_cast %mul3A_32 : i32 to index
      %swap3A_33 = tpu.vector_load %arg6[%swap3A] {strides = array<i32>} : memref<640xf32, #tpu.memory_space<vmem>>, vector<16xf32>,
      %swap3A_34 = vector.shape_cast %swap3A_33 : vector<16xf32> to vector<16xf32>
      %swap3A_35 = vector.shape_cast %broadcast_in_dim3A_30 : vector<16xf32> to vector<16xf32>
      tpu.vector_store %arg6[%swap3A], %swap3A_35 {strides = array<i32>} : memref<640xf32, #tpu.memory_space<vmem>>, vector<16xf32>,
      %scan3A_36 = arith.constant 0 : i32
      scf.yield %scan3A_36 : i32
    }
    %scan3A_13 = arith.constant 40 : i32
    %mul3A_14 = arith.constant 640 : i32
    %mul3A_15 = arith.muli %arg1, %mul3A_14 : i32
    "tpu.region"() ({
      %run_scoped3A = tpu.sem_alloc : memref<!tpu.dma_semaphore, #tpu.memory_space<semaphore_mem>>
      %dma_start3A = tpu.memref_slice %arg7[%mul3A_15] : memref<10240xf32, #tpu.memory_space<vmem_shared>> -> memref<640xf32, #tpu.memory_space<vmem_shared>>
      %dma_start3A_28 = tpu.memref_slice %arg7[%mul3A_15] : memref<10240xf32, #tpu.memory_space<vmem_shared>> -> memref<640xf32, #tpu.memory_space<vmem_shared>>
      tpu.enqueue_dma source(%arg6 : memref<640xf32, #tpu.memory_space<vmem>>) target(%dma_start3A_28 : memref<640xf32, #tpu.memory_space<vmem_shared>>) target_semaphore(%run_scoped3A : memref<!tpu.dma_semaphore, #tpu.memory_space<semaphore_mem>>)
      %dma_wait3A = tpu.memref_slice %arg7[%mul3A_15] : memref<10240xf32, #tpu.memory_space<vmem_shared>> -> memref<640xf32, #tpu.memory_space<vmem_shared>>
      %dma_wait3A_29 = tpu.memref_slice %arg7[%mul3A_15] : memref<10240xf32, #tpu.memory_space<vmem_shared>> -> memref<640xf32, #tpu.memory_space<vmem_shared>>
      tpu.wait_dma2 semaphore(%run_scoped3A : memref<!tpu.dma_semaphore, #tpu.memory_space<semaphore_mem>>) src(%arg6 : memref<640xf32, #tpu.memory_space<vmem>>) dst(%dma_wait3A_29 : memref<640xf32, #tpu.memory_space<vmem_shared>>)
      tpu.yield
    }) : () -> ()
    %barrier3A = arith.constant 0 : index
    tpu.barrier barrier_id(%barrier3A)
    "tpu.region"() ({
      %run_scoped3A = tpu.sem_alloc : memref<!tpu.dma_semaphore, #tpu.memory_space<semaphore_mem>>
      %dma_start3A = arith.constant 0 : i32
      %dma_start3A_28 = arith.constant 0 : i32
      %dma_start3A_29 = tpu.memref_slice %arg2[%add3A, %dma_start3A, %dma_start3A_28] : memref<32x79x128xi32, #tpu.memory_space<hbm>> -> memref<1x79x128xi32, #tpu.memory_space<hbm>>
      %dma_start3A_30 = tpu.memref_squeeze %dma_start3A_29 : memref<1x79x128xi32, #tpu.memory_space<hbm>> -> memref<79x128xi32, #tpu.memory_space<hbm>>
      %dma_start3A_31 = arith.constant 0 : i32
      %dma_start3A_32 = arith.constant 0 : i32
      %dma_start3A_33 = tpu.memref_slice %arg2[%add3A, %dma_start3A_31, %dma_start3A_32] : memref<32x79x128xi32, #tpu.memory_space<hbm>> -> memref<1x79x128xi32, #tpu.memory_space<hbm>>
      %dma_start3A_34 = tpu.memref_squeeze %dma_start3A_33 : memref<1x79x128xi32, #tpu.memory_space<hbm>> -> memref<79x128xi32, #tpu.memory_space<hbm>>
      tpu.enqueue_dma source(%dma_start3A_34 : memref<79x128xi32, #tpu.memory_space<hbm>>) target(%arg4 : memref<79x128xi32, #tpu.memory_space<vmem>>) target_semaphore(%run_scoped3A : memref<!tpu.dma_semaphore, #tpu.memory_space<semaphore_mem>>)
      %dma_wait3A = arith.constant 0 : i32
      %dma_wait3A_35 = arith.constant 0 : i32
      %dma_wait3A_36 = tpu.memref_slice %arg2[%add3A, %dma_wait3A, %dma_wait3A_35] : memref<32x79x128xi32, #tpu.memory_space<hbm>> -> memref<1x79x128xi32, #tpu.memory_space<hbm>>
      %dma_wait3A_37 = tpu.memref_squeeze %dma_wait3A_36 : memref<1x79x128xi32, #tpu.memory_space<hbm>> -> memref<79x128xi32, #tpu.memory_space<hbm>>
      %dma_wait3A_38 = arith.constant 0 : i32
      %dma_wait3A_39 = arith.constant 0 : i32
      %dma_wait3A_40 = tpu.memref_slice %arg2[%add3A, %dma_wait3A_38, %dma_wait3A_39] : memref<32x79x128xi32, #tpu.memory_space<hbm>> -> memref<1x79x128xi32, #tpu.memory_space<hbm>>
      %dma_wait3A_41 = tpu.memref_squeeze %dma_wait3A_40 : memref<1x79x128xi32, #tpu.memory_space<hbm>> -> memref<79x128xi32, #tpu.memory_space<hbm>>
      tpu.wait_dma2 semaphore(%run_scoped3A : memref<!tpu.dma_semaphore, #tpu.memory_space<semaphore_mem>>) src(%dma_wait3A_41 : memref<79x128xi32, #tpu.memory_space<hbm>>) dst(%arg4 : memref<79x128xi32, #tpu.memory_space<vmem>>)
      tpu.yield
    }) : () -> ()
    %scan3A_16 = arith.constant 0 : i32
    %scan3A_17 = arith.constant 0 : i32
    %scan3A_18 = arith.constant 79 : i32
    %scan3A_19 = arith.addi %scan3A_17, %scan3A_18 : i32
    %scan3A_20 = arith.constant 1 : i32
    %scan3A_21 = scf.for %scan3A_28 = %scan3A_17 to %scan3A_19 step %scan3A_20 iter_args(%scan3A_29 = %scan3A_16) -> (i32)  : i32 {
      "tpu.region"() ({
        %run_scoped3A = tpu.sem_alloc : memref<!tpu.dma_semaphore, #tpu.memory_space<semaphore_mem>>
        %dma_start3A = arith.constant 0 : i32
        %dma_start3A_31 = tpu.memref_slice %arg4[%scan3A_28, %dma_start3A] : memref<79x128xi32, #tpu.memory_space<vmem>> -> memref<1x128xi32, #tpu.memory_space<vmem>>
        %dma_start3A_32 = tpu.memref_squeeze %dma_start3A_31 : memref<1x128xi32, #tpu.memory_space<vmem>> -> memref<128xi32, #tpu.memory_space<vmem>>
        %dma_start3A_33 = arith.constant 0 : i32
        %dma_start3A_34 = tpu.memref_slice %arg7[%dma_start3A_33] : memref<10240xf32, #tpu.memory_space<vmem_shared>> -> memref<10240xf32, #tpu.memory_space<vmem_shared>>
        tpu.enqueue_indirect_dma source(%arg5 : memref<128xf32, #tpu.memory_space<vmem>>) target(%dma_start3A_34 : memref<10240xf32, #tpu.memory_space<vmem_shared>>) offsets(%dma_start3A_32 : memref<128xi32, #tpu.memory_space<vmem>>) semaphore(%run_scoped3A : memref<!tpu.dma_semaphore, #tpu.memory_space<semaphore_mem>>) {add = true}
        %dma_wait3A = arith.constant 0 : i32
        %dma_wait3A_35 = tpu.memref_slice %arg4[%scan3A_28, %dma_wait3A] : memref<79x128xi32, #tpu.memory_space<vmem>> -> memref<1x128xi32, #tpu.memory_space<vmem>>
        %dma_wait3A_36 = tpu.memref_squeeze %dma_wait3A_35 : memref<1x128xi32, #tpu.memory_space<vmem>> -> memref<128xi32, #tpu.memory_space<vmem>>
        %dma_wait3A_37 = arith.constant 0 : i32
        %dma_wait3A_38 = tpu.memref_slice %arg7[%dma_wait3A_37] : memref<10240xf32, #tpu.memory_space<vmem_shared>> -> memref<10240xf32, #tpu.memory_space<vmem_shared>>
        tpu.wait_indirect_dma semaphore(%run_scoped3A : memref<!tpu.dma_semaphore, #tpu.memory_space<semaphore_mem>>) src(%arg5 : memref<128xf32, #tpu.memory_space<vmem>>) dst(%dma_wait3A_38 : memref<10240xf32, #tpu.memory_space<vmem_shared>>)
        tpu.yield
      }) : () -> ()
      %scan3A_30 = arith.constant 0 : i32
      scf.yield %scan3A_30 : i32
    }
    %scan3A_22 = arith.constant 79 : i32
    %barrier3A_23 = arith.constant 0 : index
    tpu.barrier barrier_id(%barrier3A_23)
    %mul3A_24 = arith.constant 640 : i32
    %mul3A_25 = arith.muli %arg1, %mul3A_24 : i32
    %mul3A_26 = arith.constant 640 : i32
    %mul3A_27 = arith.muli %arg1, %mul3A_26 : i32
    "tpu.region"() ({
      %run_scoped3A = tpu.sem_alloc : memref<!tpu.dma_semaphore, #tpu.memory_space<semaphore_mem>>
      %dma_start3A = tpu.memref_slice %arg3[%arg0, %mul3A_27] : memref<2x10240xf32, #tpu.memory_space<hbm>> -> memref<1x640xf32, #tpu.memory_space<hbm>>
      %dma_start3A_28 = tpu.memref_squeeze %dma_start3A : memref<1x640xf32, #tpu.memory_space<hbm>> -> memref<640xf32, #tpu.memory_space<hbm>>
      %dma_start3A_29 = tpu.memref_slice %arg7[%mul3A_25] : memref<10240xf32, #tpu.memory_space<vmem_shared>> -> memref<640xf32, #tpu.memory_space<vmem_shared>>
      tpu.enqueue_dma source(%dma_start3A_29 : memref<640xf32, #tpu.memory_space<vmem_shared>>) target(%dma_start3A_28 : memref<640xf32, #tpu.memory_space<hbm>>) target_semaphore(%run_scoped3A : memref<!tpu.dma_semaphore, #tpu.memory_space<semaphore_mem>>)
      %dma_wait3A = tpu.memref_slice %arg3[%arg0, %mul3A_27] : memref<2x10240xf32, #tpu.memory_space<hbm>> -> memref<1x640xf32, #tpu.memory_space<hbm>>
      %dma_wait3A_30 = tpu.memref_squeeze %dma_wait3A : memref<1x640xf32, #tpu.memory_space<hbm>> -> memref<640xf32, #tpu.memory_space<hbm>>
      %dma_wait3A_31 = tpu.memref_slice %arg7[%mul3A_25] : memref<10240xf32, #tpu.memory_space<vmem_shared>> -> memref<640xf32, #tpu.memory_space<vmem_shared>>
      tpu.wait_dma2 semaphore(%run_scoped3A : memref<!tpu.dma_semaphore, #tpu.memory_space<semaphore_mem>>) src(%dma_wait3A_31 : memref<640xf32, #tpu.memory_space<vmem_shared>>) dst(%dma_wait3A_30 : memref<640xf32, #tpu.memory_space<hbm>>)
      tpu.yield
    }) : () -> ()
    return
  }
}

#map = affine_map<(d0, d1) -> (0, 0)>
#map1 = affine_map<(d0, d1) -> (0, 0, 0)>
module attributes {stable_mosaic.version = 14 : i64} {
  func.func @agg_kernel(%arg0: i32, %arg1: i32, %arg2: memref<10000x128xf32, #tpu.memory_space<hbm>>, %arg3: memref<32x79x128xi32, #tpu.memory_space<hbm>>, %arg4: memref<32x79x128xi32, #tpu.memory_space<hbm>>, %arg5: memref<2x10240x128xf32, #tpu.memory_space<hbm>>, %arg6: memref<79x128xi32, #tpu.memory_space<vmem>>, %arg7: memref<79x128xi32, #tpu.memory_space<vmem>>, %arg8: memref<128x128xf32, #tpu.memory_space<vmem>>, %arg9: memref<64x128xf32, #tpu.memory_space<vmem>>, %arg10: memref<10240x128xf32, #tpu.memory_space<vmem_shared>>) attributes {dimension_semantics = [#tpu.dimension_semantics<core_parallel>, #tpu.dimension_semantics<subcore_parallel>], iteration_bounds = array<i64: 2, 16>, scalar_prefetch = 0 : i64, scratch_operands = 5 : i64, tpu.core_type = #tpu.core_type<sc_vector_subcore>, window_params = [{transform_indices = #map}, {transform_indices = #map1}, {transform_indices = #map1}, {transform_indices = #map1}]} {
    %mul3A = arith.constant 16 : i32
    %mul3A_0 = arith.muli %arg0, %mul3A : i32
    %add3A = arith.addi %mul3A_0, %arg1 : i32
    %scan3A = arith.constant 0 : i32
    %scan3A_1 = arith.constant 0 : i32
    %scan3A_2 = arith.constant 64 : i32
    %scan3A_3 = arith.addi %scan3A_1, %scan3A_2 : i32
    %scan3A_4 = arith.constant 1 : i32
    %scan3A_5 = scf.for %scan3A_26 = %scan3A_1 to %scan3A_3 step %scan3A_4 iter_args(%scan3A_27 = %scan3A) -> (i32)  : i32 {
      %broadcast_in_dim3A = arith.constant 0.000000e+00 : f32
      %broadcast_in_dim3A_28 = vector.broadcast %broadcast_in_dim3A : f32 to vector<16xf32>
      %swap3A = arith.index_cast %scan3A_26 : i32 to index
      %swap3A_29 = arith.constant 0 : index
      %swap3A_30 = tpu.vector_load %arg9[%swap3A, %swap3A_29] {strides = array<i32>} : memref<64x128xf32, #tpu.memory_space<vmem>>, vector<1x16xf32>,
      %swap3A_31 = vector.shape_cast %swap3A_30 : vector<1x16xf32> to vector<16xf32>
      %swap3A_32 = vector.shape_cast %broadcast_in_dim3A_28 : vector<16xf32> to vector<1x16xf32>
      tpu.vector_store %arg9[%swap3A, %swap3A_29], %swap3A_32 {strides = array<i32>} : memref<64x128xf32, #tpu.memory_space<vmem>>, vector<1x16xf32>,
      %broadcast_in_dim3A_33 = arith.constant 0.000000e+00 : f32
      %broadcast_in_dim3A_34 = vector.broadcast %broadcast_in_dim3A_33 : f32 to vector<16xf32>
      %swap3A_35 = arith.index_cast %scan3A_26 : i32 to index
      %swap3A_36 = arith.constant 16 : index
      %swap3A_37 = tpu.vector_load %arg9[%swap3A_35, %swap3A_36] {strides = array<i32>} : memref<64x128xf32, #tpu.memory_space<vmem>>, vector<1x16xf32>,
      %swap3A_38 = vector.shape_cast %swap3A_37 : vector<1x16xf32> to vector<16xf32>
      %swap3A_39 = vector.shape_cast %broadcast_in_dim3A_34 : vector<16xf32> to vector<1x16xf32>
      tpu.vector_store %arg9[%swap3A_35, %swap3A_36], %swap3A_39 {strides = array<i32>} : memref<64x128xf32, #tpu.memory_space<vmem>>, vector<1x16xf32>,
      %broadcast_in_dim3A_40 = arith.constant 0.000000e+00 : f32
      %broadcast_in_dim3A_41 = vector.broadcast %broadcast_in_dim3A_40 : f32 to vector<16xf32>
      %swap3A_42 = arith.index_cast %scan3A_26 : i32 to index
      %swap3A_43 = arith.constant 32 : index
      %swap3A_44 = tpu.vector_load %arg9[%swap3A_42, %swap3A_43] {strides = array<i32>} : memref<64x128xf32, #tpu.memory_space<vmem>>, vector<1x16xf32>,
      %swap3A_45 = vector.shape_cast %swap3A_44 : vector<1x16xf32> to vector<16xf32>
      %swap3A_46 = vector.shape_cast %broadcast_in_dim3A_41 : vector<16xf32> to vector<1x16xf32>
      tpu.vector_store %arg9[%swap3A_42, %swap3A_43], %swap3A_46 {strides = array<i32>} : memref<64x128xf32, #tpu.memory_space<vmem>>, vector<1x16xf32>,
      %broadcast_in_dim3A_47 = arith.constant 0.000000e+00 : f32
      %broadcast_in_dim3A_48 = vector.broadcast %broadcast_in_dim3A_47 : f32 to vector<16xf32>
      %swap3A_49 = arith.index_cast %scan3A_26 : i32 to index
      %swap3A_50 = arith.constant 48 : index
      %swap3A_51 = tpu.vector_load %arg9[%swap3A_49, %swap3A_50] {strides = array<i32>} : memref<64x128xf32, #tpu.memory_space<vmem>>, vector<1x16xf32>,
      %swap3A_52 = vector.shape_cast %swap3A_51 : vector<1x16xf32> to vector<16xf32>
      %swap3A_53 = vector.shape_cast %broadcast_in_dim3A_48 : vector<16xf32> to vector<1x16xf32>
      tpu.vector_store %arg9[%swap3A_49, %swap3A_50], %swap3A_53 {strides = array<i32>} : memref<64x128xf32, #tpu.memory_space<vmem>>, vector<1x16xf32>,
      %broadcast_in_dim3A_54 = arith.constant 0.000000e+00 : f32
      %broadcast_in_dim3A_55 = vector.broadcast %broadcast_in_dim3A_54 : f32 to vector<16xf32>
      %swap3A_56 = arith.index_cast %scan3A_26 : i32 to index
      %swap3A_57 = arith.constant 64 : index
      %swap3A_58 = tpu.vector_load %arg9[%swap3A_56, %swap3A_57] {strides = array<i32>} : memref<64x128xf32, #tpu.memory_space<vmem>>, vector<1x16xf32>,
      %swap3A_59 = vector.shape_cast %swap3A_58 : vector<1x16xf32> to vector<16xf32>
      %swap3A_60 = vector.shape_cast %broadcast_in_dim3A_55 : vector<16xf32> to vector<1x16xf32>
      tpu.vector_store %arg9[%swap3A_56, %swap3A_57], %swap3A_60 {strides = array<i32>} : memref<64x128xf32, #tpu.memory_space<vmem>>, vector<1x16xf32>,
      %broadcast_in_dim3A_61 = arith.constant 0.000000e+00 : f32
      %broadcast_in_dim3A_62 = vector.broadcast %broadcast_in_dim3A_61 : f32 to vector<16xf32>
      %swap3A_63 = arith.index_cast %scan3A_26 : i32 to index
      %swap3A_64 = arith.constant 80 : index
      %swap3A_65 = tpu.vector_load %arg9[%swap3A_63, %swap3A_64] {strides = array<i32>} : memref<64x128xf32, #tpu.memory_space<vmem>>, vector<1x16xf32>,
      %swap3A_66 = vector.shape_cast %swap3A_65 : vector<1x16xf32> to vector<16xf32>
      %swap3A_67 = vector.shape_cast %broadcast_in_dim3A_62 : vector<16xf32> to vector<1x16xf32>
      tpu.vector_store %arg9[%swap3A_63, %swap3A_64], %swap3A_67 {strides = array<i32>} : memref<64x128xf32, #tpu.memory_space<vmem>>, vector<1x16xf32>,
      %broadcast_in_dim3A_68 = arith.constant 0.000000e+00 : f32
      %broadcast_in_dim3A_69 = vector.broadcast %broadcast_in_dim3A_68 : f32 to vector<16xf32>
      %swap3A_70 = arith.index_cast %scan3A_26 : i32 to index
      %swap3A_71 = arith.constant 96 : index
      %swap3A_72 = tpu.vector_load %arg9[%swap3A_70, %swap3A_71] {strides = array<i32>} : memref<64x128xf32, #tpu.memory_space<vmem>>, vector<1x16xf32>,
      %swap3A_73 = vector.shape_cast %swap3A_72 : vector<1x16xf32> to vector<16xf32>
      %swap3A_74 = vector.shape_cast %broadcast_in_dim3A_69 : vector<16xf32> to vector<1x16xf32>
      tpu.vector_store %arg9[%swap3A_70, %swap3A_71], %swap3A_74 {strides = array<i32>} : memref<64x128xf32, #tpu.memory_space<vmem>>, vector<1x16xf32>,
      %broadcast_in_dim3A_75 = arith.constant 0.000000e+00 : f32
      %broadcast_in_dim3A_76 = vector.broadcast %broadcast_in_dim3A_75 : f32 to vector<16xf32>
      %swap3A_77 = arith.index_cast %scan3A_26 : i32 to index
      %swap3A_78 = arith.constant 112 : index
      %swap3A_79 = tpu.vector_load %arg9[%swap3A_77, %swap3A_78] {strides = array<i32>} : memref<64x128xf32, #tpu.memory_space<vmem>>, vector<1x16xf32>,
      %swap3A_80 = vector.shape_cast %swap3A_79 : vector<1x16xf32> to vector<16xf32>
      %swap3A_81 = vector.shape_cast %broadcast_in_dim3A_76 : vector<16xf32> to vector<1x16xf32>
      tpu.vector_store %arg9[%swap3A_77, %swap3A_78], %swap3A_81 {strides = array<i32>} : memref<64x128xf32, #tpu.memory_space<vmem>>, vector<1x16xf32>,
      %scan3A_82 = arith.constant 0 : i32
      scf.yield %scan3A_82 : i32
    }
    %scan3A_6 = arith.constant 64 : i32
    %scan3A_7 = arith.constant 0 : i32
    %scan3A_8 = arith.constant 0 : i32
    %scan3A_9 = arith.constant 10 : i32
    %scan3A_10 = arith.addi %scan3A_8, %scan3A_9 : i32
    %scan3A_11 = arith.constant 1 : i32
    %scan3A_12 = scf.for %scan3A_26 = %scan3A_8 to %scan3A_10 step %scan3A_11 iter_args(%scan3A_27 = %scan3A_7) -> (i32)  : i32 {
      %mul3A_28 = arith.constant 640 : i32
      %mul3A_29 = arith.muli %arg1, %mul3A_28 : i32
      %mul3A_30 = arith.constant 64 : i32
      %mul3A_31 = arith.muli %scan3A_26, %mul3A_30 : i32
      %add3A_32 = arith.addi %mul3A_29, %mul3A_31 : i32
      "tpu.region"() ({
        %run_scoped3A = tpu.sem_alloc : memref<!tpu.dma_semaphore, #tpu.memory_space<semaphore_mem>>
        %dma_start3A = arith.constant 0 : i32
        %dma_start3A_34 = tpu.memref_slice %arg10[%add3A_32, %dma_start3A] : memref<10240x128xf32, #tpu.memory_space<vmem_shared>> -> memref<64x128xf32, #tpu.memory_space<vmem_shared>>
        %dma_start3A_35 = arith.constant 0 : i32
        %dma_start3A_36 = tpu.memref_slice %arg10[%add3A_32, %dma_start3A_35] : memref<10240x128xf32, #tpu.memory_space<vmem_shared>> -> memref<64x128xf32, #tpu.memory_space<vmem_shared>>
        tpu.enqueue_dma source(%arg9 : memref<64x128xf32, #tpu.memory_space<vmem>>) target(%dma_start3A_36 : memref<64x128xf32, #tpu.memory_space<vmem_shared>>) target_semaphore(%run_scoped3A : memref<!tpu.dma_semaphore, #tpu.memory_space<semaphore_mem>>)
        %dma_wait3A = arith.constant 0 : i32
        %dma_wait3A_37 = tpu.memref_slice %arg10[%add3A_32, %dma_wait3A] : memref<10240x128xf32, #tpu.memory_space<vmem_shared>> -> memref<64x128xf32, #tpu.memory_space<vmem_shared>>
        %dma_wait3A_38 = arith.constant 0 : i32
        %dma_wait3A_39 = tpu.memref_slice %arg10[%add3A_32, %dma_wait3A_38] : memref<10240x128xf32, #tpu.memory_space<vmem_shared>> -> memref<64x128xf32, #tpu.memory_space<vmem_shared>>
        tpu.wait_dma2 semaphore(%run_scoped3A : memref<!tpu.dma_semaphore, #tpu.memory_space<semaphore_mem>>) src(%arg9 : memref<64x128xf32, #tpu.memory_space<vmem>>) dst(%dma_wait3A_39 : memref<64x128xf32, #tpu.memory_space<vmem_shared>>)
        tpu.yield
      }) : () -> ()
      %scan3A_33 = arith.constant 0 : i32
      scf.yield %scan3A_33 : i32
    }
    %scan3A_13 = arith.constant 10 : i32
    %barrier3A = arith.constant 0 : index
    tpu.barrier barrier_id(%barrier3A)
    "tpu.region"() ({
      %run_scoped3A = tpu.sem_alloc : memref<!tpu.dma_semaphore, #tpu.memory_space<semaphore_mem>>
      %dma_start3A = arith.constant 0 : i32
      %dma_start3A_26 = arith.constant 0 : i32
      %dma_start3A_27 = tpu.memref_slice %arg3[%add3A, %dma_start3A, %dma_start3A_26] : memref<32x79x128xi32, #tpu.memory_space<hbm>> -> memref<1x79x128xi32, #tpu.memory_space<hbm>>
      %dma_start3A_28 = tpu.memref_squeeze %dma_start3A_27 : memref<1x79x128xi32, #tpu.memory_space<hbm>> -> memref<79x128xi32, #tpu.memory_space<hbm>>
      %dma_start3A_29 = arith.constant 0 : i32
      %dma_start3A_30 = arith.constant 0 : i32
      %dma_start3A_31 = tpu.memref_slice %arg3[%add3A, %dma_start3A_29, %dma_start3A_30] : memref<32x79x128xi32, #tpu.memory_space<hbm>> -> memref<1x79x128xi32, #tpu.memory_space<hbm>>
      %dma_start3A_32 = tpu.memref_squeeze %dma_start3A_31 : memref<1x79x128xi32, #tpu.memory_space<hbm>> -> memref<79x128xi32, #tpu.memory_space<hbm>>
      tpu.enqueue_dma source(%dma_start3A_32 : memref<79x128xi32, #tpu.memory_space<hbm>>) target(%arg6 : memref<79x128xi32, #tpu.memory_space<vmem>>) target_semaphore(%run_scoped3A : memref<!tpu.dma_semaphore, #tpu.memory_space<semaphore_mem>>)
      %dma_wait3A = arith.constant 0 : i32
      %dma_wait3A_33 = arith.constant 0 : i32
      %dma_wait3A_34 = tpu.memref_slice %arg3[%add3A, %dma_wait3A, %dma_wait3A_33] : memref<32x79x128xi32, #tpu.memory_space<hbm>> -> memref<1x79x128xi32, #tpu.memory_space<hbm>>
      %dma_wait3A_35 = tpu.memref_squeeze %dma_wait3A_34 : memref<1x79x128xi32, #tpu.memory_space<hbm>> -> memref<79x128xi32, #tpu.memory_space<hbm>>
      %dma_wait3A_36 = arith.constant 0 : i32
      %dma_wait3A_37 = arith.constant 0 : i32
      %dma_wait3A_38 = tpu.memref_slice %arg3[%add3A, %dma_wait3A_36, %dma_wait3A_37] : memref<32x79x128xi32, #tpu.memory_space<hbm>> -> memref<1x79x128xi32, #tpu.memory_space<hbm>>
      %dma_wait3A_39 = tpu.memref_squeeze %dma_wait3A_38 : memref<1x79x128xi32, #tpu.memory_space<hbm>> -> memref<79x128xi32, #tpu.memory_space<hbm>>
      tpu.wait_dma2 semaphore(%run_scoped3A : memref<!tpu.dma_semaphore, #tpu.memory_space<semaphore_mem>>) src(%dma_wait3A_39 : memref<79x128xi32, #tpu.memory_space<hbm>>) dst(%arg6 : memref<79x128xi32, #tpu.memory_space<vmem>>)
      tpu.yield
    }) : () -> ()
    "tpu.region"() ({
      %run_scoped3A = tpu.sem_alloc : memref<!tpu.dma_semaphore, #tpu.memory_space<semaphore_mem>>
      %dma_start3A = arith.constant 0 : i32
      %dma_start3A_26 = arith.constant 0 : i32
      %dma_start3A_27 = tpu.memref_slice %arg4[%add3A, %dma_start3A, %dma_start3A_26] : memref<32x79x128xi32, #tpu.memory_space<hbm>> -> memref<1x79x128xi32, #tpu.memory_space<hbm>>
      %dma_start3A_28 = tpu.memref_squeeze %dma_start3A_27 : memref<1x79x128xi32, #tpu.memory_space<hbm>> -> memref<79x128xi32, #tpu.memory_space<hbm>>
      %dma_start3A_29 = arith.constant 0 : i32
      %dma_start3A_30 = arith.constant 0 : i32
      %dma_start3A_31 = tpu.memref_slice %arg4[%add3A, %dma_start3A_29, %dma_start3A_30] : memref<32x79x128xi32, #tpu.memory_space<hbm>> -> memref<1x79x128xi32, #tpu.memory_space<hbm>>
      %dma_start3A_32 = tpu.memref_squeeze %dma_start3A_31 : memref<1x79x128xi32, #tpu.memory_space<hbm>> -> memref<79x128xi32, #tpu.memory_space<hbm>>
      tpu.enqueue_dma source(%dma_start3A_32 : memref<79x128xi32, #tpu.memory_space<hbm>>) target(%arg7 : memref<79x128xi32, #tpu.memory_space<vmem>>) target_semaphore(%run_scoped3A : memref<!tpu.dma_semaphore, #tpu.memory_space<semaphore_mem>>)
      %dma_wait3A = arith.constant 0 : i32
      %dma_wait3A_33 = arith.constant 0 : i32
      %dma_wait3A_34 = tpu.memref_slice %arg4[%add3A, %dma_wait3A, %dma_wait3A_33] : memref<32x79x128xi32, #tpu.memory_space<hbm>> -> memref<1x79x128xi32, #tpu.memory_space<hbm>>
      %dma_wait3A_35 = tpu.memref_squeeze %dma_wait3A_34 : memref<1x79x128xi32, #tpu.memory_space<hbm>> -> memref<79x128xi32, #tpu.memory_space<hbm>>
      %dma_wait3A_36 = arith.constant 0 : i32
      %dma_wait3A_37 = arith.constant 0 : i32
      %dma_wait3A_38 = tpu.memref_slice %arg4[%add3A, %dma_wait3A_36, %dma_wait3A_37] : memref<32x79x128xi32, #tpu.memory_space<hbm>> -> memref<1x79x128xi32, #tpu.memory_space<hbm>>
      %dma_wait3A_39 = tpu.memref_squeeze %dma_wait3A_38 : memref<1x79x128xi32, #tpu.memory_space<hbm>> -> memref<79x128xi32, #tpu.memory_space<hbm>>
      tpu.wait_dma2 semaphore(%run_scoped3A : memref<!tpu.dma_semaphore, #tpu.memory_space<semaphore_mem>>) src(%dma_wait3A_39 : memref<79x128xi32, #tpu.memory_space<hbm>>) dst(%arg7 : memref<79x128xi32, #tpu.memory_space<vmem>>)
      tpu.yield
    }) : () -> ()
    %scan3A_14 = arith.constant 0 : i32
    %scan3A_15 = arith.constant 0 : i32
    %scan3A_16 = arith.constant 79 : i32
    %scan3A_17 = arith.addi %scan3A_15, %scan3A_16 : i32
    %scan3A_18 = arith.constant 1 : i32
    %scan3A_19 = scf.for %scan3A_26 = %scan3A_15 to %scan3A_17 step %scan3A_18 iter_args(%scan3A_27 = %scan3A_14) -> (i32)  : i32 {
      "tpu.region"() ({
        %run_scoped3A = tpu.sem_alloc : memref<!tpu.dma_semaphore, #tpu.memory_space<semaphore_mem>>
        %dma_start3A = arith.constant 0 : i32
        %dma_start3A_29 = tpu.memref_slice %arg6[%scan3A_26, %dma_start3A] : memref<79x128xi32, #tpu.memory_space<vmem>> -> memref<1x128xi32, #tpu.memory_space<vmem>>
        %dma_start3A_30 = tpu.memref_squeeze %dma_start3A_29 : memref<1x128xi32, #tpu.memory_space<vmem>> -> memref<128xi32, #tpu.memory_space<vmem>>
        %dma_start3A_31 = arith.constant 0 : i32
        %dma_start3A_32 = arith.constant 0 : i32
        %dma_start3A_33 = tpu.memref_slice %arg2[%dma_start3A_31, %dma_start3A_32] : memref<10000x128xf32, #tpu.memory_space<hbm>> -> memref<10000x128xf32, #tpu.memory_space<hbm>>
        tpu.enqueue_indirect_dma source(%dma_start3A_33 : memref<10000x128xf32, #tpu.memory_space<hbm>>) target(%arg8 : memref<128x128xf32, #tpu.memory_space<vmem>>) offsets(%dma_start3A_30 : memref<128xi32, #tpu.memory_space<vmem>>) semaphore(%run_scoped3A : memref<!tpu.dma_semaphore, #tpu.memory_space<semaphore_mem>>)
        %dma_wait3A = arith.constant 0 : i32
        %dma_wait3A_34 = tpu.memref_slice %arg6[%scan3A_26, %dma_wait3A] : memref<79x128xi32, #tpu.memory_space<vmem>> -> memref<1x128xi32, #tpu.memory_space<vmem>>
        %dma_wait3A_35 = tpu.memref_squeeze %dma_wait3A_34 : memref<1x128xi32, #tpu.memory_space<vmem>> -> memref<128xi32, #tpu.memory_space<vmem>>
        %dma_wait3A_36 = arith.constant 0 : i32
        %dma_wait3A_37 = arith.constant 0 : i32
        %dma_wait3A_38 = tpu.memref_slice %arg2[%dma_wait3A_36, %dma_wait3A_37] : memref<10000x128xf32, #tpu.memory_space<hbm>> -> memref<10000x128xf32, #tpu.memory_space<hbm>>
        tpu.wait_indirect_dma semaphore(%run_scoped3A : memref<!tpu.dma_semaphore, #tpu.memory_space<semaphore_mem>>) src(%dma_wait3A_38 : memref<10000x128xf32, #tpu.memory_space<hbm>>) dst(%arg8 : memref<128x128xf32, #tpu.memory_space<vmem>>)
        tpu.yield
      }) : () -> ()
      "tpu.region"() ({
        %run_scoped3A = tpu.sem_alloc : memref<!tpu.dma_semaphore, #tpu.memory_space<semaphore_mem>>
        %dma_start3A = arith.constant 0 : i32
        %dma_start3A_29 = tpu.memref_slice %arg7[%scan3A_26, %dma_start3A] : memref<79x128xi32, #tpu.memory_space<vmem>> -> memref<1x128xi32, #tpu.memory_space<vmem>>
        %dma_start3A_30 = tpu.memref_squeeze %dma_start3A_29 : memref<1x128xi32, #tpu.memory_space<vmem>> -> memref<128xi32, #tpu.memory_space<vmem>>
        %dma_start3A_31 = arith.constant 0 : i32
        %dma_start3A_32 = arith.constant 0 : i32
        %dma_start3A_33 = tpu.memref_slice %arg10[%dma_start3A_31, %dma_start3A_32] : memref<10240x128xf32, #tpu.memory_space<vmem_shared>> -> memref<10240x128xf32, #tpu.memory_space<vmem_shared>>
        tpu.enqueue_indirect_dma source(%arg8 : memref<128x128xf32, #tpu.memory_space<vmem>>) target(%dma_start3A_33 : memref<10240x128xf32, #tpu.memory_space<vmem_shared>>) offsets(%dma_start3A_30 : memref<128xi32, #tpu.memory_space<vmem>>) semaphore(%run_scoped3A : memref<!tpu.dma_semaphore, #tpu.memory_space<semaphore_mem>>) {add = true}
        %dma_wait3A = arith.constant 0 : i32
        %dma_wait3A_34 = tpu.memref_slice %arg7[%scan3A_26, %dma_wait3A] : memref<79x128xi32, #tpu.memory_space<vmem>> -> memref<1x128xi32, #tpu.memory_space<vmem>>
        %dma_wait3A_35 = tpu.memref_squeeze %dma_wait3A_34 : memref<1x128xi32, #tpu.memory_space<vmem>> -> memref<128xi32, #tpu.memory_space<vmem>>
        %dma_wait3A_36 = arith.constant 0 : i32
        %dma_wait3A_37 = arith.constant 0 : i32
        %dma_wait3A_38 = tpu.memref_slice %arg10[%dma_wait3A_36, %dma_wait3A_37] : memref<10240x128xf32, #tpu.memory_space<vmem_shared>> -> memref<10240x128xf32, #tpu.memory_space<vmem_shared>>
        tpu.wait_indirect_dma semaphore(%run_scoped3A : memref<!tpu.dma_semaphore, #tpu.memory_space<semaphore_mem>>) src(%arg8 : memref<128x128xf32, #tpu.memory_space<vmem>>) dst(%dma_wait3A_38 : memref<10240x128xf32, #tpu.memory_space<vmem_shared>>)
        tpu.yield
      }) : () -> ()
      %scan3A_28 = arith.constant 0 : i32
      scf.yield %scan3A_28 : i32
    }
    %scan3A_20 = arith.constant 79 : i32
    %barrier3A_21 = arith.constant 0 : index
    tpu.barrier barrier_id(%barrier3A_21)
    %mul3A_22 = arith.constant 640 : i32
    %mul3A_23 = arith.muli %arg1, %mul3A_22 : i32
    %mul3A_24 = arith.constant 640 : i32
    %mul3A_25 = arith.muli %arg1, %mul3A_24 : i32
    "tpu.region"() ({
      %run_scoped3A = tpu.sem_alloc : memref<!tpu.dma_semaphore, #tpu.memory_space<semaphore_mem>>
      %dma_start3A = arith.constant 0 : i32
      %dma_start3A_26 = tpu.memref_slice %arg5[%arg0, %mul3A_25, %dma_start3A] : memref<2x10240x128xf32, #tpu.memory_space<hbm>> -> memref<1x640x128xf32, #tpu.memory_space<hbm>>
      %dma_start3A_27 = tpu.memref_squeeze %dma_start3A_26 : memref<1x640x128xf32, #tpu.memory_space<hbm>> -> memref<640x128xf32, #tpu.memory_space<hbm>>
      %dma_start3A_28 = arith.constant 0 : i32
      %dma_start3A_29 = tpu.memref_slice %arg10[%mul3A_23, %dma_start3A_28] : memref<10240x128xf32, #tpu.memory_space<vmem_shared>> -> memref<640x128xf32, #tpu.memory_space<vmem_shared>>
      tpu.enqueue_dma source(%dma_start3A_29 : memref<640x128xf32, #tpu.memory_space<vmem_shared>>) target(%dma_start3A_27 : memref<640x128xf32, #tpu.memory_space<hbm>>) target_semaphore(%run_scoped3A : memref<!tpu.dma_semaphore, #tpu.memory_space<semaphore_mem>>)
      %dma_wait3A = arith.constant 0 : i32
      %dma_wait3A_30 = tpu.memref_slice %arg5[%arg0, %mul3A_25, %dma_wait3A] : memref<2x10240x128xf32, #tpu.memory_space<hbm>> -> memref<1x640x128xf32, #tpu.memory_space<hbm>>
      %dma_wait3A_31 = tpu.memref_squeeze %dma_wait3A_30 : memref<1x640x128xf32, #tpu.memory_space<hbm>> -> memref<640x128xf32, #tpu.memory_space<hbm>>
      %dma_wait3A_32 = arith.constant 0 : i32
      %dma_wait3A_33 = tpu.memref_slice %arg10[%mul3A_23, %dma_wait3A_32] : memref<10240x128xf32, #tpu.memory_space<vmem_shared>> -> memref<640x128xf32, #tpu.memory_space<vmem_shared>>
      tpu.wait_dma2 semaphore(%run_scoped3A : memref<!tpu.dma_semaphore, #tpu.memory_space<semaphore_mem>>) src(%dma_wait3A_33 : memref<640x128xf32, #tpu.memory_space<vmem_shared>>) dst(%dma_wait3A_31 : memref<640x128xf32, #tpu.memory_space<hbm>>)
      tpu.yield
    }) : () -> ()
    return
  }
}

module attributes {stable_mosaic.version = 14 : i64} {
  func.func @_tc1_body(%arg0: memref<2x10240xf32, #tpu.memory_space<vmem>>, %arg1: memref<10000x128xf32, #tpu.memory_space<vmem>>, %arg2: memref<128x128xf32, #tpu.memory_space<vmem>>, %arg3: memref<10000x1xf32, #tpu.memory_space<vmem>>, %arg4: memref<10000x128xf32, #tpu.memory_space<vmem>>) attributes {dimension_semantics = [], scalar_prefetch = 0 : i64, scratch_operands = 0 : i64, tpu.core_type = #tpu.core_type<tc>} {
    %get3A = arith.constant 0 : index
    %get3A_0 = arith.constant 0 : index
    %get3A_1 = vector.load %arg0[%get3A, %get3A_0] : memref<2x10240xf32, #tpu.memory_space<vmem>>, vector<1x10000xf32>
    %get3A_2 = vector.shape_cast %get3A_1 : vector<1x10000xf32> to vector<10000xf32>
    %get3A_3 = arith.constant 1 : index
    %get3A_4 = arith.constant 0 : index
    %get3A_5 = vector.load %arg0[%get3A_3, %get3A_4] : memref<2x10240xf32, #tpu.memory_space<vmem>>, vector<1x10000xf32>
    %get3A_6 = vector.shape_cast %get3A_5 : vector<1x10000xf32> to vector<10000xf32>
    %add3A = arith.addf %get3A_2, %get3A_6 : vector<10000xf32>
    %add3A_7 = arith.constant 1.000000e+00 : f32
    %add3A_8 = vector.broadcast %add3A_7 : f32 to vector<10000xf32>
    %add3A_9 = arith.addf %add3A, %add3A_8 : vector<10000xf32>
    %rsqrt3A = math.rsqrt %add3A_9 : vector<10000xf32>
    %broadcast_in_dim3A = vector.shape_cast %rsqrt3A : vector<10000xf32> to vector<10000x1xf32>
    %swap3A = arith.constant 0 : index
    %swap3A_10 = arith.constant 0 : index
    %swap3A_11 = vector.load %arg3[%swap3A, %swap3A_10] : memref<10000x1xf32, #tpu.memory_space<vmem>>, vector<10000x1xf32>
    tpu.vector_store %arg3[%swap3A, %swap3A_10], %broadcast_in_dim3A {strides = array<i32>} : memref<10000x1xf32, #tpu.memory_space<vmem>>, vector<10000x1xf32>,
    %get3A_12 = arith.constant 0 : index
    %get3A_13 = arith.constant 0 : index
    %get3A_14 = vector.load %arg1[%get3A_12, %get3A_13] : memref<10000x128xf32, #tpu.memory_space<vmem>>, vector<10000x128xf32>
    %get3A_15 = arith.constant 0 : index
    %get3A_16 = arith.constant 0 : index
    %get3A_17 = vector.load %arg2[%get3A_15, %get3A_16] : memref<128x128xf32, #tpu.memory_space<vmem>>, vector<128x128xf32>
    %dot_general3A = arith.constant dense<0.000000e+00> : vector<10000x128xf32>
    %dot_general3A_18 = tpu.matmul %get3A_14, %get3A_17, %dot_general3A {dimension_numbers = #tpu.dot_dimension_numbers<[1], [0], [0], [1], [0, 0, 1, 1], [], []>, transpose_lhs_hint = false} : vector<10000x128xf32>, vector<128x128xf32>, vector<10000x128xf32> -> vector<10000x128xf32>
    %mul3A = vector.broadcast %broadcast_in_dim3A : vector<10000x1xf32> to vector<10000x128xf32>
    %mul3A_19 = arith.mulf %dot_general3A_18, %mul3A : vector<10000x128xf32>
    %swap3A_20 = arith.constant 0 : index
    %swap3A_21 = arith.constant 0 : index
    %swap3A_22 = vector.load %arg4[%swap3A_20, %swap3A_21] : memref<10000x128xf32, #tpu.memory_space<vmem>>, vector<10000x128xf32>
    tpu.vector_store %arg4[%swap3A_20, %swap3A_21], %mul3A_19 {strides = array<i32>} : memref<10000x128xf32, #tpu.memory_space<vmem>>, vector<10000x128xf32>,
    return
  }
}

module attributes {stable_mosaic.version = 14 : i64} {
  func.func @_tc2_body(%arg0: memref<10000x1xf32, #tpu.memory_space<vmem>>, %arg1: memref<2x10240x128xf32, #tpu.memory_space<vmem>>, %arg2: memref<10000x128xf32, #tpu.memory_space<vmem>>, %arg3: memref<128xf32, #tpu.memory_space<vmem>>, %arg4: memref<128x128xf32, #tpu.memory_space<vmem>>, %arg5: memref<10000x128xf32, #tpu.memory_space<vmem>>) attributes {dimension_semantics = [], scalar_prefetch = 0 : i64, scratch_operands = 0 : i64, tpu.core_type = #tpu.core_type<tc>} {
    %get3A = arith.constant 0 : index
    %get3A_0 = arith.constant 0 : index
    %get3A_1 = vector.load %arg0[%get3A, %get3A_0] : memref<10000x1xf32, #tpu.memory_space<vmem>>, vector<10000x1xf32>
    %get3A_2 = arith.constant 0 : index
    %get3A_3 = arith.constant 0 : index
    %get3A_4 = arith.constant 0 : index
    %get3A_5 = vector.load %arg1[%get3A_2, %get3A_3, %get3A_4] : memref<2x10240x128xf32, #tpu.memory_space<vmem>>, vector<1x10000x128xf32>
    %get3A_6 = vector.shape_cast %get3A_5 : vector<1x10000x128xf32> to vector<10000x128xf32>
    %get3A_7 = arith.constant 1 : index
    %get3A_8 = arith.constant 0 : index
    %get3A_9 = arith.constant 0 : index
    %get3A_10 = vector.load %arg1[%get3A_7, %get3A_8, %get3A_9] : memref<2x10240x128xf32, #tpu.memory_space<vmem>>, vector<1x10000x128xf32>
    %get3A_11 = vector.shape_cast %get3A_10 : vector<1x10000x128xf32> to vector<10000x128xf32>
    %add3A = arith.addf %get3A_6, %get3A_11 : vector<10000x128xf32>
    %get3A_12 = arith.constant 0 : index
    %get3A_13 = arith.constant 0 : index
    %get3A_14 = vector.load %arg2[%get3A_12, %get3A_13] : memref<10000x128xf32, #tpu.memory_space<vmem>>, vector<10000x128xf32>
    %add3A_15 = arith.addf %add3A, %get3A_14 : vector<10000x128xf32>
    %mul3A = vector.broadcast %get3A_1 : vector<10000x1xf32> to vector<10000x128xf32>
    %mul3A_16 = arith.mulf %mul3A, %add3A_15 : vector<10000x128xf32>
    %get3A_17 = arith.constant 0 : index
    %get3A_18 = vector.load %arg3[%get3A_17] : memref<128xf32, #tpu.memory_space<vmem>>, vector<128xf32>
    %broadcast_in_dim3A = vector.shape_cast %get3A_18 : vector<128xf32> to vector<1x128xf32>
    %add3A_19 = vector.broadcast %broadcast_in_dim3A : vector<1x128xf32> to vector<10000x128xf32>
    %add3A_20 = arith.addf %mul3A_16, %add3A_19 : vector<10000x128xf32>
    %max3A = arith.constant 0.000000e+00 : f32
    %max3A_21 = vector.broadcast %max3A : f32 to vector<10000x128xf32>
    %max3A_22 = arith.maximumf %add3A_20, %max3A_21 : vector<10000x128xf32>
    %get3A_23 = arith.constant 0 : index
    %get3A_24 = arith.constant 0 : index
    %get3A_25 = vector.load %arg4[%get3A_23, %get3A_24] : memref<128x128xf32, #tpu.memory_space<vmem>>, vector<128x128xf32>
    %dot_general3A = arith.constant dense<0.000000e+00> : vector<10000x128xf32>
    %dot_general3A_26 = tpu.matmul %max3A_22, %get3A_25, %dot_general3A {dimension_numbers = #tpu.dot_dimension_numbers<[1], [0], [0], [1], [0, 0, 1, 1], [], []>, transpose_lhs_hint = false} : vector<10000x128xf32>, vector<128x128xf32>, vector<10000x128xf32> -> vector<10000x128xf32>
    %mul3A_27 = vector.broadcast %get3A_1 : vector<10000x1xf32> to vector<10000x128xf32>
    %mul3A_28 = arith.mulf %dot_general3A_26, %mul3A_27 : vector<10000x128xf32>
    %swap3A = arith.constant 0 : index
    %swap3A_29 = arith.constant 0 : index
    %swap3A_30 = vector.load %arg5[%swap3A, %swap3A_29] : memref<10000x128xf32, #tpu.memory_space<vmem>>, vector<10000x128xf32>
    tpu.vector_store %arg5[%swap3A, %swap3A_29], %mul3A_28 {strides = array<i32>} : memref<10000x128xf32, #tpu.memory_space<vmem>>, vector<10000x128xf32>,
    return
  }
}

module attributes {stable_mosaic.version = 14 : i64} {
  func.func @_tc3_body(%arg0: memref<10000x1xf32, #tpu.memory_space<vmem>>, %arg1: memref<2x10240x128xf32, #tpu.memory_space<vmem>>, %arg2: memref<10000x128xf32, #tpu.memory_space<vmem>>, %arg3: memref<128xf32, #tpu.memory_space<vmem>>, %arg4: memref<10000x128xf32, #tpu.memory_space<vmem>>) attributes {dimension_semantics = [], scalar_prefetch = 0 : i64, scratch_operands = 0 : i64, tpu.core_type = #tpu.core_type<tc>} {
    %get3A = arith.constant 0 : index
    %get3A_0 = arith.constant 0 : index
    %get3A_1 = arith.constant 0 : index
    %get3A_2 = vector.load %arg1[%get3A, %get3A_0, %get3A_1] : memref<2x10240x128xf32, #tpu.memory_space<vmem>>, vector<1x10000x128xf32>
    %get3A_3 = vector.shape_cast %get3A_2 : vector<1x10000x128xf32> to vector<10000x128xf32>
    %get3A_4 = arith.constant 1 : index
    %get3A_5 = arith.constant 0 : index
    %get3A_6 = arith.constant 0 : index
    %get3A_7 = vector.load %arg1[%get3A_4, %get3A_5, %get3A_6] : memref<2x10240x128xf32, #tpu.memory_space<vmem>>, vector<1x10000x128xf32>
    %get3A_8 = vector.shape_cast %get3A_7 : vector<1x10000x128xf32> to vector<10000x128xf32>
    %add3A = arith.addf %get3A_3, %get3A_8 : vector<10000x128xf32>
    %get3A_9 = arith.constant 0 : index
    %get3A_10 = arith.constant 0 : index
    %get3A_11 = vector.load %arg0[%get3A_9, %get3A_10] : memref<10000x1xf32, #tpu.memory_space<vmem>>, vector<10000x1xf32>
    %get3A_12 = arith.constant 0 : index
    %get3A_13 = arith.constant 0 : index
    %get3A_14 = vector.load %arg2[%get3A_12, %get3A_13] : memref<10000x128xf32, #tpu.memory_space<vmem>>, vector<10000x128xf32>
    %add3A_15 = arith.addf %add3A, %get3A_14 : vector<10000x128xf32>
    %mul3A = vector.broadcast %get3A_11 : vector<10000x1xf32> to vector<10000x128xf32>
    %mul3A_16 = arith.mulf %mul3A, %add3A_15 : vector<10000x128xf32>
    %get3A_17 = arith.constant 0 : index
    %get3A_18 = vector.load %arg3[%get3A_17] : memref<128xf32, #tpu.memory_space<vmem>>, vector<128xf32>
    %broadcast_in_dim3A = vector.shape_cast %get3A_18 : vector<128xf32> to vector<1x128xf32>
    %add3A_19 = vector.broadcast %broadcast_in_dim3A : vector<1x128xf32> to vector<10000x128xf32>
    %add3A_20 = arith.addf %mul3A_16, %add3A_19 : vector<10000x128xf32>
    %swap3A = arith.constant 0 : index
    %swap3A_21 = arith.constant 0 : index
    %swap3A_22 = vector.load %arg4[%swap3A, %swap3A_21] : memref<10000x128xf32, #tpu.memory_space<vmem>>, vector<10000x128xf32>
    tpu.vector_store %arg4[%swap3A, %swap3A_21], %add3A_20 {strides = array<i32>} : memref<10000x128xf32, #tpu.memory_space<vmem>>, vector<10000x128xf32>,
    return
  }
}

</mosaic_0001>

<sc_bundles>
// kernel: kernel.11.cloned.1.call-start
scs
__scs_entry_jumppad:
0x0: {  	(pc) =	sbr.rel $0x88, $3  }
0x1: {  	(tag) =	ssettag $0x0;
	lr =	simm.s32 $0x1  }
0x2: {  	[smem:$0x3F9B] =	sst lr;
	_ =	strace $0xD0000000  }
0x3: {  	_ = 	snop  }
0x4: {  	_ = 	snop  }
0x5: {  	_ = 	snop  }
0x6: {  	_ = 	snop  }
0x7: {  	_ = 	snop  }
__scs_overlays_trampoline_lowered:
0x8: {  	[smem:$0x3FAA] =	sst s0  }
0x9: {  	[smem:$0x3FAB] =	sst s1  }
0xa: {  	[smem:$0x3FAC] =	sst s2  }
0xb: {  	[smem:$0x3FAD] =	sst s3  }
0xc: {  	[smem:$0x3FAE] =	sst s4  }
0xd: {  	[smem:$0x3FAF] =	sst s5  }
0xe: {  	[smem:$0x3FB0] =	sst s6  }
0xf: {  	[smem:$0x3FB1] =	sst s7  }
0x10: {  	[smem:$0x3FB2] =	sst s8  }
0x11: {  	[smem:$0x3FB3] =	sst s9;
	s0 =	simm.s32 @!p0 $0x0  }
0x12: {  	s1 =	sld [smem:$0x3F99];
	s0 =	simm.s32 @p0 $0x1  }
0x13: {  	[smem:$0x3FB4] =	sst s0;
	s0 =	simm.s32 @!p1 $0x0  }
0x14: {  	s2 =	sld [smem:$0x3F98];
	s0 =	simm.s32 @p1 $0x1  }
0x15: {  	[smem:$0x3FB5] =	sst s0;
	s0 =	simm.s32 @!p2 $0x0  }
0x16: {  	s3 =	sld [smem:$0x3FDB];
	s0 =	simm.s32 @p2 $0x1  }
0x17: {  	s4 =	simm.s32 $0x1BF5;
	[smem:$0x3FB7] =	sst s0  }
0x18: {  	s0 =	sld [smem:$0x3F9A];
	_ =	swait.ge [sflag:s4], $0x0  }
0x19: {  	s7 =	sld [smem:$0x3F9B]  }
0x1a: {  	s8 =	sadd.s32 $0xFFFFE003, lr  }
0x1b: {  	s9 =	sadd.s32 $0xFFFFFEF7, lr;
	s5 =	simm.s32 $0xFFFFFFFF;
	p2 =	slt.u32 s8, $0xFFFFF086  }
0x1c: {  	p1 =	slt.u32 s9, $0xF7A;
	s5 =	simm.s32 @!p2 $0x0  }
0x1d: {  	s5 =	simm.s32 @p1 $0x1;
	p0 =	seq.s32 s7, s2  }
0x1e: {  	s7 =	smul.u32 @!p0 $0xF7A, s2;
	p2 =	seq.s32 @!p0 s5, $0x0  }
0x1f: {  	s9 =	smul.u32 $0xF7A, s1;
	s8 =	simm.s32 @!p0 $0x1BF5;
	p2 =	por !p2, p0  }
0x20: {  	[sflag:s8] =	ssyncset.s32 @!p0 $0xFFFFF086;
	s6 =	sadd.s32 @!p0 s3, s7;
	s7 =	simm.s32 @!p0 $0x108  }
0x21: {  	s3 =	sadd.s32 s3, s9;
	s6 =	sadd.s32 @!p0 $0x88, s6;
	s7 =	simm.s32 @p2 $0x1082  }
0x22: {  	[simem:s7], [sflag:s8] =	dma.local @!p0 [hbm:s6], $0xF7A  }
0x23: {  	s9 =	sor.u32 $0xD0000000, s2;
	s6 =	simm.s32 $0x108;
	_ =	swait.ge @!p0 [sflag:s8], $0x0  }
0x24: {  	s3 =	sadd.s32 $0x88, s3;
	s6 =	simm.s32 @!p1 $0x1082;
	[sflag:s4] =	ssyncset.s32 $0xFFFFF086  }
0x25: {  	[simem:s6], [sflag:s4] =	dma.local [hbm:s3], $0xF7A  }
0x26: {  	[smem:$0x3F9B] =	sst s1;
	(tag) =	ssettag s2;
	_ =	strace s9  }
0x27: {  	s1 =	sld [smem:$0x3FAB]  }
0x28: {  	s2 =	sld [smem:$0x3FAC]  }
0x29: {  	s4 =	sld [smem:$0x3FAE]  }
0x2a: {  	p0 =	seq.s32 s5, $0x0;
	s5 =	sld [smem:$0x3FAF]  }
0x2b: {  	s6 =	sld [smem:$0x3FB0]  }
0x2c: {  	s7 =	sld [smem:$0x3FB1]  }
0x2d: {  	s3 =	simm.s32 $0x108;
	s8 =	sld [smem:$0x3FB2]  }
0x2e: {  	s3 =	simm.s32 @!p0 $0x1082;
	s9 =	sld [smem:$0x3FB3]  }
0x2f: {  	lr =	sadd.s32 s0, s3;
	s0 =	sld [smem:$0x3FAA]  }
0x30: {  	s3 =	sld [smem:$0x3FAD]  }
0x31: {  	[smem:$0x3FB6] =	sst s10  }
0x32: {  	s10 =	sld [smem:$0x3FB4];
	_ =	sdelay $0x3  }
0x33: {  	p0 =	seq.s32 s10, $0x1;
	s10 =	sld [smem:$0x3FB6];
	_ =	sdelay $0x3  }
0x34: {  	[smem:$0x3FB6] =	sst s10  }
0x35: {  	s10 =	sld [smem:$0x3FB5];
	_ =	sdelay $0x3  }
0x36: {  	p1 =	seq.s32 s10, $0x1;
	s10 =	sld [smem:$0x3FB6];
	_ =	sdelay $0x3  }
0x37: {  	[smem:$0x3FB6] =	sst s10  }
0x38: {  	s10 =	sld [smem:$0x3FB7]  }
0x39: {  	_ = 	snop;
	(pc) =	sbr.ind lr, $3  }
0x3a: {  	_ = 	snop  }
0x3b: {  	_ = 	snop  }
0x3c: {  	p2 =	seq.s32 s10, $0x1;
	s10 =	sld [smem:$0x3FB6]  }
0x3d: {  	_ =	shalt  }
0x3e: {  	_ =	shalt  }
0x3f: {  	_ =	shalt  }
0x40: {  	_ =	shalt  }
0x41: {  	_ =	shalt  }
0x42: {  	_ =	shalt  }
0x43: {  	_ =	shalt  }
0x44: {  	_ =	shalt  }
0x45: {  	_ =	shalt  }
0x46: {  	_ =	shalt  }
0x47: {  	_ =	shalt  }
0x48: {  	_ =	shalt  }
0x49: {  	_ =	shalt  }
0x4a: {  	_ =	shalt  }
0x4b: {  	_ =	shalt  }
0x4c: {  	_ =	shalt  }
0x4d: {  	_ =	shalt  }
0x4e: {  	_ =	shalt  }
0x4f: {  	_ =	shalt  }
0x50: {  	_ =	shalt  }
0x51: {  	_ =	shalt  }
0x52: {  	_ =	shalt  }
0x53: {  	_ =	shalt  }
0x54: {  	_ =	shalt  }
0x55: {  	_ =	shalt  }
0x56: {  	_ =	shalt  }
0x57: {  	_ =	shalt  }
0x58: {  	_ =	shalt  }
0x59: {  	_ =	shalt  }
0x5a: {  	_ =	shalt  }
0x5b: {  	_ =	shalt  }
0x5c: {  	_ =	shalt  }
0x5d: {  	_ =	shalt  }
0x5e: {  	_ =	shalt  }
0x5f: {  	_ =	shalt  }
0x60: {  	_ =	shalt  }
0x61: {  	_ =	shalt  }
0x62: {  	_ =	shalt  }
0x63: {  	_ =	shalt  }
0x64: {  	_ =	shalt  }
0x65: {  	_ =	shalt  }
0x66: {  	_ =	shalt  }
0x67: {  	_ =	shalt  }
0x68: {  	_ =	shalt  }
0x69: {  	_ =	shalt  }
0x6a: {  	_ =	shalt  }
0x6b: {  	_ =	shalt  }
0x6c: {  	_ =	shalt  }
0x6d: {  	_ =	shalt  }
0x6e: {  	_ =	shalt  }
0x6f: {  	_ =	shalt  }
0x70: {  	_ =	shalt  }
0x71: {  	_ =	shalt  }
0x72: {  	_ =	shalt  }
0x73: {  	_ =	shalt  }
0x74: {  	_ =	shalt  }
0x75: {  	_ =	shalt  }
0x76: {  	_ =	shalt  }
0x77: {  	_ =	shalt  }
0x78: {  	_ =	shalt  }
0x79: {  	_ =	shalt  }
0x7a: {  	_ =	shalt  }
0x7b: {  	_ =	shalt  }
0x7c: {  	_ =	shalt  }
0x7d: {  	_ =	shalt  }
0x7e: {  	_ =	shalt  }
0x7f: {  	_ =	shalt  }
0x80: {  	_ =	shalt  }
0x81: {  	_ =	shalt  }
0x82: {  	_ =	shalt  }
0x83: {  	_ =	shalt  }
0x84: {  	_ =	shalt  }
0x85: {  	_ =	shalt  }
0x86: {  	_ =	shalt  }
0x87: {  	_ =	shalt  }
.Lfunc_end0:
.L_simem_size_0:
called_computation.1_lowered:
.L_overlay_start_0:
0x88: {  	s2 =	sld [smem:$0x3FD9]  }
0x89: {  	s3 =	sld [smem:$0x3FFE];
	_ =	sdelay $0x1  }
0x8a: {  	s1 =	srdreg.scid  }
0x8b: {  	s0 =	sand.u32 $0x1, s1  }
0x8c: {  	s17 =	sshll.u32 s0, $0xA;
	s2 =	sadd.s32 s3, s2  }
0x8d: {  	s2 =	sadd.s32 s2, s17  }
0x8e: {  	[smem:$0x3FC2] =	sst s2  }
0x8f: {  	_ = 	snop  }
0x90: {  	s2 =	sld [smem:$0x3FD0];
	(tm) =	ssettm $0x1  }
0x91: {  	s18 =	sld [smem:$0x3FFB];
	_ =	sdelay $0x3  }
0x92: {  	_ =	strace s18  }
0x93: {  	s3 =	sld [smem:$0x3FFC];
	_ =	sdelay $0x3  }
0x94: {  	_ =	strace s3  }
0x95: {  	s3 =	sld [smem:$0x3FFD];
	_ =	sdelay $0x3  }
0x96: {  	_ =	strace s3  }
0x97: {  	_ =	strace $0x8FFFFFFF  }
0x98: {  	s19 =	sld [smem:$0x3FDB];
	_ =	sdelay $0x1  }
0x99: {  	s4 =	simm.s32 $_scs_section_size  }
0x9a: {  	s5 =	simm.s32 $_size__tile_overlayer_lowered;
	s6 =	simm.s32 $_tile_overlayer_lowered  }
0x9b: {  	s22 =	simm.s32 $0x1BFF;
	s21 =	sshll.u32 s6, $0x1;
	s3 =	sadd.s32 s4, s19  }
0x9c: {  	s7 =	simm.s32 $0x0;
	s20 =	sshll.u32 s5, $0x1;
	s5 =	sadd.s32 s21, s3  }
0x9d: {  	[timem:s7], [sflag:s22] =	dma.local [hbm:s5], s20  }
0x9e: {  	_ =	swait.ge [sflag:s22], s20  }
0x9f: {  	s4 =	ssub.s32 $0x0, s20;
	[sflag:s22] =	ssyncset.done $0x0  }
0xa0: {  	[sflag:s22] =	ssyncadd.s32 s4;
	_ =	sdelay $0x1  }
0xa1: {  	s23 =	simm.s32 $0x1B8B  }
0xa2: {  	_ =	swait.ge [sflag:s23], $0x1  }
0xa3: {  	[sflag:s23] =	ssyncset.done $0x0  }
0xa4: {  	s25 =	simm.s32 $0x1B8E;
	s24 =	sld [smem:$0x3FFE];
	[sflag:s23] =	ssyncadd.s32 $0xFFFFFFFF  }
0xa5: {  	s26 =	simm.s32 $execute0_lowered;
	[smem:$0x3FD2] =	sst s25  }
0xa6: {  	s5 =	sshll.u32 s26, $0x1;
	_ =	strace $0x80000049;
	[dreg:$0x1] =	wrdreg $0xFFFFFFFF  }
0xa7: {  	s28 =	simm.s32 $_size_execute0_lowered;
	s3 =	sadd.s32 s3, s5;
	[dreg:$0x0] =	wrdreg $0x0  }
0xa8: {  	s5 =	sshll.u32 s28, $0x1;
	[dreg:$0x2] =	wrdreg s3  }
0xa9: {  	[dreg:$0x3] =	wrdreg s5  }
0xaa: {  	[dreg:$0x4] =	wrdreg $0xC0  }
0xab: {  	_ =	task [dreg:s7], $0x5FFFF  }
0xac: {  	[dreg:$0x1] =	wrdreg $0xFFFFFFFF  }
0xad: {  	[dreg:$0x0] =	wrdreg $0x60  }
0xae: {  	[dreg:$0x2] =	wrdreg s2  }
0xaf: {  	[dreg:$0x3] =	wrdreg s24  }
0xb0: {  	[dreg:$0x4] =	wrdreg $0xB0000  }
0xb1: {  	[dreg:$0x5] =	wrdreg $0x9  }
0xb2: {  	_ =	task.clear_ibuf [dreg:s7], $0x6FFFF;
	_ =	strace $0x90000049  }
0xb3: {  	s29 =	simm.s32 $0x9;
	_ =	strace $0x8000004B  }
0xb4: {  	_ =	swait.ge [sflag:s29], $0x1  }
0xb5: {  	[sflag:s29] =	ssyncadd.s32 $0xFFFFFFFF  }
0xb6: {  	_ =	strace $0x9000004B  }
0xb7: {  	_ =	sfence  }
0xb8: {  	s30 =	sld [smem:$0x0];
	_ =	sdelay $0x2  }
0xb9: {  	s31 =	sshll.u32 s1, $0xD;
	s1 =	sshrl.u32 s1, $0x2  }
0xba: {  	s3 =	sand.u32 $0x4000, s31;
	s1 =	sadd.s32 s1, s30  }
0xbb: {  	s0 =	sor.u32 s3, s0;
	s1 =	sshll.u32 s1, $0x11  }
0xbc: {  	s0 =	sor.u32 s1, s0  }
0xbd: {  	s0 =	sadd.s32 $0x8F2B, s0  }
0xbe: {  	[sflag:s0] =	ssyncadd.remote.s32 $0x1  }
0xbf: {  	_ =	sfence.sel $0xFFFF  }
0xc0: {  	[dreg:$0x0] =	wrdreg $0xFFFFFFFF;
	(pc) =	sbr.abs _section_cstart, $3  }
0xc1: {  	[dreg:$0x1] =	wrdreg $0xFFFFFFFF  }
0xc2: {  	_ =	task.clear_ibuf [dreg:s7], $0x2FFFF;
	_ =	strace $0x9FFFFFFF  }
0xc3: {  	(tm) =	ssettm $0x7FFFFFFF  }
tec
execute0_lowered:
.L_overlay_start_1:
0x0: {  	(tag) =	ssettag $0x1  }
0x1: {  	s1 =	rddreg [dreg:$0x0]  }
0x2: {  	s6 =	rddreg [dreg:$0x1]  }
0x3: {  	s0 =	srdreg.scid;
	s3 =	rddreg [dreg:$0x2]  }
0x4: {  	s4 =	simm.s32 $0x0;
	s19 =	simm.s32 $0x9000;
	s20 =	simm.s32 $0x1  }
0x5: {  	s21 =	simm.s32 $0x2800;
	s22 =	simm.s32 $0x80;
	s5 =	sand.u32 $0x1, s0  }
0x6: {  	s23 =	simm.s32 $0x5000;
	s0 =	stileid.u32;
	s8 =	smul.u32 $0x140000, s5  }
0x7: {  	[smem:$0x7FF] =	sst s4;
	s2 =	sshll.u32 s5, $0x4;
	s9 =	smul.u32 $0x14000, s0  }
0x8: {  	s10 =	smul.u32 $0x50000, s0;
	s5 =	ssub.s32 $0x2, s5;
	s2 =	sor.u32 s0, s2  }
0x9: {  	s31 =	sshrl.u32 s5, $0x1;
	s7 =	smul.u32 $0x500, s2;
	s2 =	rddreg [dreg:$0x3]  }
0xa: {  	_ =	strace $0x8000004A;
	s8 =	sadd.s32 s9, s8;
	s10 =	sshrl.u32 s10, $0x2  }
0xb: {  	s9 =	ssub.s32 s5, s31;
	s8 =	sshrl.u32 s8, $0x3;
	s5 =	sadd.s32 s10, s3  }
0xc: {  	s9 =	smax.u32 s9, $0x1;
	s7 =	sadd.s32 s7, s6;
	s8 =	sadd.s32 s8, s6  }
0xd: {  	s10 =	sadd.s32 $0x2000, s5;
	s11 =	sadd.s32 $0x4000, s5;
	s12 =	sadd.s32 $0x6000, s5  }
0xe: {  	s13 =	sadd.s32 $0x8000, s5;
	s14 =	sadd.s32 $0xA000, s5;
	s15 =	sadd.s32 $0xC000, s5  }
0xf: {  	s16 =	sadd.s32 $0xE000, s5;
	s17 =	sadd.s32 $0x10000, s5;
	s18 =	sadd.s32 $0x12000, s5  }
0x10: {  	v0 =	vimm.f32 $0.0e+00;
	s6 =	sadd.s32 $0xC800, s7;
	s7 =	sadd.s32 $0x2800, s7;
	s8 =	sadd.s32 $0x16800, s8  }
.LBB2_1:
0x11: {  	s24 =	simm.s32 $0x0;
	s25 =	simm.s32 $0x200  }
.LBB2_2:
0x12: {  	p0 =	sne.s32 s25, $0x7E00;
	[tilespmem:s24+$0x9070] =	vst v0  }
0x13: {  	[tilespmem:s24+$0x9000] =	vst v0  }
0x14: {  	[tilespmem:s24+$0x9010] =	vst v0  }
.Ltmp0:
0x15: {  	[tilespmem:s24+$0x9020] =	vst v0;
	(pc) =	sbr.rel @p0 .LBB2_2-.Ltmp0, $4  }
0x16: {  	[tilespmem:s24+$0x9030] =	vst v0  }
0x17: {  	[tilespmem:s24+$0x9040] =	vst v0  }
0x18: {  	[tilespmem:s24+$0x9050] =	vst v0  }
0x19: {  	[tilespmem:s24+$0x9060] =	vst v0;
	s24 =	sshra.s32 s25, $0x2;
	s25 =	sadd.s32 $0x200, s25  }
0x1a: {  	[tilespmem:s24+$0x9070] =	vst v0  }
0x1b: {  	[tilespmem:s24+$0x9000] =	vst v0  }
0x1c: {  	[tilespmem:s24+$0x9010] =	vst v0  }
0x1d: {  	[tilespmem:s24+$0x9020] =	vst v0  }
0x1e: {  	[tilespmem:s24+$0x9030] =	vst v0  }
0x1f: {  	[tilespmem:s24+$0x9040] =	vst v0  }
0x20: {  	[tilespmem:s24+$0x9050] =	vst v0  }
0x21: {  	[tilespmem:s24+$0x9060] =	vst v0  }
0x22: {  	[spmem:s5] =	stream.linear.scatter [tilespmem:s19], [sflag:$0x1], $0x2000, $0x38;
	[tilespmem:$0x1F000] =	vst v63  }
0x23: {  	_ =	swait.ge [sflag:s20], $0x2000  }
0x24: {  	[sflag:s20] =	ssyncset.done $0x0  }
0x25: {  	[sflag:s20] =	ssyncadd.s32 $0xFFFFE000  }
0x26: {  	[spmem:s10] =	stream.linear.scatter [tilespmem:s19], [sflag:$0x1], $0x2000, $0x38;
	[tilespmem:$0x1F000] =	vst v63  }
0x27: {  	_ =	swait.ge [sflag:s20], $0x2000  }
0x28: {  	[sflag:s20] =	ssyncset.done $0x0  }
0x29: {  	[sflag:s20] =	ssyncadd.s32 $0xFFFFE000  }
0x2a: {  	[spmem:s11] =	stream.linear.scatter [tilespmem:s19], [sflag:$0x1], $0x2000, $0x38;
	[tilespmem:$0x1F000] =	vst v63  }
0x2b: {  	_ =	swait.ge [sflag:s20], $0x2000  }
0x2c: {  	[sflag:s20] =	ssyncset.done $0x0  }
0x2d: {  	[sflag:s20] =	ssyncadd.s32 $0xFFFFE000  }
0x2e: {  	[spmem:s12] =	stream.linear.scatter [tilespmem:s19], [sflag:$0x1], $0x2000, $0x38;
	[tilespmem:$0x1F000] =	vst v63  }
0x2f: {  	_ =	swait.ge [sflag:s20], $0x2000  }
0x30: {  	[sflag:s20] =	ssyncset.done $0x0  }
0x31: {  	[sflag:s20] =	ssyncadd.s32 $0xFFFFE000  }
0x32: {  	[spmem:s13] =	stream.linear.scatter [tilespmem:s19], [sflag:$0x1], $0x2000, $0x38;
	[tilespmem:$0x1F000] =	vst v63  }
0x33: {  	_ =	swait.ge [sflag:s20], $0x2000  }
0x34: {  	[sflag:s20] =	ssyncset.done $0x0  }
0x35: {  	[sflag:s20] =	ssyncadd.s32 $0xFFFFE000  }
0x36: {  	[spmem:s14] =	stream.linear.scatter [tilespmem:s19], [sflag:$0x1], $0x2000, $0x38;
	[tilespmem:$0x1F000] =	vst v63  }
0x37: {  	_ =	swait.ge [sflag:s20], $0x2000  }
0x38: {  	[sflag:s20] =	ssyncset.done $0x0  }
0x39: {  	[sflag:s20] =	ssyncadd.s32 $0xFFFFE000  }
0x3a: {  	[spmem:s15] =	stream.linear.scatter [tilespmem:s19], [sflag:$0x1], $0x2000, $0x38;
	[tilespmem:$0x1F000] =	vst v63  }
0x3b: {  	_ =	swait.ge [sflag:s20], $0x2000  }
0x3c: {  	[sflag:s20] =	ssyncset.done $0x0  }
0x3d: {  	[sflag:s20] =	ssyncadd.s32 $0xFFFFE000  }
0x3e: {  	[spmem:s16] =	stream.linear.scatter [tilespmem:s19], [sflag:$0x1], $0x2000, $0x38;
	[tilespmem:$0x1F000] =	vst v63  }
0x3f: {  	_ =	swait.ge [sflag:s20], $0x2000  }
0x40: {  	[sflag:s20] =	ssyncset.done $0x0  }
0x41: {  	[sflag:s20] =	ssyncadd.s32 $0xFFFFE000  }
0x42: {  	[spmem:s17] =	stream.linear.scatter [tilespmem:s19], [sflag:$0x1], $0x2000, $0x38;
	[tilespmem:$0x1F000] =	vst v63  }
0x43: {  	_ =	swait.ge [sflag:s20], $0x2000  }
0x44: {  	[sflag:s20] =	ssyncset.done $0x0  }
0x45: {  	[sflag:s20] =	ssyncadd.s32 $0xFFFFE000  }
0x46: {  	[spmem:s18] =	stream.linear.scatter [tilespmem:s19], [sflag:$0x1], $0x2000, $0x38;
	[tilespmem:$0x1F000] =	vst v63  }
0x47: {  	_ =	swait.ge [sflag:s20], $0x2000  }
0x48: {  	[sflag:s20] =	ssyncset.done $0x0  }
0x49: {  	[sflag:s20] =	ssyncadd.s32 $0xFFFFE000  }
0x4a: {  	s29 =	simm.s32 $0x0;
	[bflag:$0x0] =	sbarrier.arrive $0xFFFF  }
0x4b: {  	[tilespmem:s29], [sflag:$0x1] =	stream.linear.gather [hbm4b:s6+s29], $0x2780, $0x38;
	[tilespmem:$0x1F000] =	vst v63  }
0x4c: {  	_ =	swait.ge [sflag:s20], $0x2780  }
0x4d: {  	[sflag:s20] =	ssyncset.done $0x0  }
0x4e: {  	[sflag:s20] =	ssyncadd.s32 $0xFFFFD880  }
0x4f: {  	[tilespmem:s21], [sflag:$0x1] =	stream.linear.gather [hbm4b:s7+s29], $0x2780, $0x38;
	[tilespmem:$0x1F000] =	vst v63  }
0x50: {  	_ =	swait.ge [sflag:s20], $0x2780  }
0x51: {  	[sflag:s20] =	ssyncset.done $0x0  }
0x52: {  	s30 =	simm.s32 $0x0;
	[sflag:s20] =	ssyncadd.s32 $0xFFFFD880  }
0x53: {  	[tilespmem:s23], [sflag:$0x1] =	stream.indirect.gather [hbm4b:s1+s22], $0x80, s30, s22, $0xb8;
	[tilespmem:$0x1F000] =	vst v63  }
0x54: {  	_ =	swait.ge [sflag:s20], $0x4000  }
0x55: {  	[sflag:s20] =	ssyncset.done $0x0  }
0x56: {  	s31 =	simm.s32 $0x2800;
	[sflag:s20] =	ssyncadd.s32 $0xFFFFC000  }
0x57: {  	[spmem:s3] =	stream.indirect.scatter.add.f32 [tilespmem:s23], [sflag:$0x1], $0x80, s31, s22, $0xb8;
	[tilespmem:$0x1F000] =	vst v63  }
0x58: {  	_ =	swait.ge [sflag:s20], $0x4000  }
0x59: {  	s24 =	simm.s32 $0x200;
	s25 =	simm.s32 $0x400;
	[sflag:s20] =	ssyncset.done $0x0  }
.LBB2_4:
0x5a: {  	s26 =	sshra.s32 s24, $0x2  }
0x5b: {  	[sflag:s20] =	ssyncadd.s32 $0xFFFFC000;
	s24 =	smov.u32 s25;
	s28 =	sadd.s32 $0x200, s25  }
0x5c: {  	[tilespmem:s23], [sflag:$0x1] =	stream.indirect.gather [hbm4b:s1+s22], $0x80, s26, s22, $0xb8;
	[tilespmem:$0x1F000] =	vst v63  }
0x5d: {  	p0 =	sne.s32 s25, $0x9C00;
	_ =	swait.ge [sflag:s20], $0x4000  }
.Ltmp1:
0x5e: {  	[sflag:s20] =	ssyncset.done $0x0;
	(pc) =	sbr.rel @p0 .LBB2_4-.Ltmp1, $4  }
0x5f: {  	s25 =	sadd.s32 $0x2800, s26;
	[sflag:s20] =	ssyncadd.s32 $0xFFFFC000  }
0x60: {  	[spmem:s3] =	stream.indirect.scatter.add.f32 [tilespmem:s23], [sflag:$0x1], $0x80, s25, s22, $0xb8;
	[tilespmem:$0x1F000] =	vst v63  }
0x61: {  	_ =	swait.ge [sflag:s20], $0x4000  }
0x62: {  	s25 =	smov.u32 s28;
	[sflag:s20] =	ssyncset.done $0x0  }
0x63: {  	s24 =	sshra.s32 s24, $0x2;
	[sflag:s20] =	ssyncadd.s32 $0xFFFFC000  }
0x64: {  	[tilespmem:s23], [sflag:$0x1] =	stream.indirect.gather [hbm4b:s1+s22], $0x80, s24, s22, $0xb8;
	[tilespmem:$0x1F000] =	vst v63  }
0x65: {  	_ =	swait.ge [sflag:s20], $0x4000  }
0x66: {  	[sflag:s20] =	ssyncset.done $0x0  }
0x67: {  	s24 =	sadd.s32 $0x2800, s24;
	[sflag:s20] =	ssyncadd.s32 $0xFFFFC000  }
0x68: {  	[spmem:s3] =	stream.indirect.scatter.add.f32 [tilespmem:s23], [sflag:$0x1], $0x80, s24, s22, $0xb8;
	[tilespmem:$0x1F000] =	vst v63  }
0x69: {  	_ =	swait.ge [sflag:s20], $0x4000  }
0x6a: {  	s31 =	sshll.u32 s0, $0x6;
	s4 =	sadd.s32 $0x1, s4;
	[sflag:s20] =	ssyncset.done $0x0  }
0x6b: {  	s25 =	sshrl.u32 s5, $0x3;
	p0 =	sne.s32 s4, s9;
	[sflag:s20] =	ssyncadd.s32 $0xFFFFC000  }
.Ltmp2:
0x6c: {  	s24 =	sor.u32 $0x1C01, s31;
	[bflag:$0x0] =	sbarrier.arrive $0xFFFF;
	(pc) =	sbr.rel @p0 .LBB2_1-.Ltmp2, $4  }
0x6d: {  	[hbm:s8], [sflag:s24] =	dma.local [spmem:s25], $0x2800  }
0x6e: {  	_ =	swait.ge [sflag:s20], $0x2800  }
0x6f: {  	[sflag:s20] =	ssyncset.done $0x0  }
0x70: {  	[sflag:s20] =	ssyncadd.s32 $0xFFFFD800  }
0x71: {  	_ =	sfence.sel $0x180000  }
0x72: {  	[bflag:$0x0] =	sbarrier.arrive $0xFFFF  }
0x73: {  	p0 =	sne.s32 s0, $0x0;
	_ =	strace $0x9000004A  }
0x74: {  	s0 =	sadd.s32 @!p0 $0x100000, s2;
	[bflag:$0x2] =	sbarrier.arrive $0xFFFF  }
0x75: {  	[sflag:s0] =	ssyncadd.tile.s32 @!p0 $0x1;
	_ =	shalt  }
.Lfunc_end2:
_tile_overlayer_lowered:
.L_overlay_start_2:
0x76: {  	(tag) =	ssettag $0x2  }
0x77: {  	s0 =	rddreg [dreg:$0x0];
	s2 =	stileid.u32  }
0x78: {  	s1 =	rddreg [dreg:$0x1];
	p0 =	sne.s32 s2, $0x0  }
0x79: {  	s3 =	rddreg [dreg:$0x2];
	[bflag:$0x3] =	sbarrier.arrive $0xFFFF;
	s2 =	simm.s32 @!p0 $0x1C01  }
0x7a: {  	[timem:s3], [sflag:s2] =	dma.local @!p0 [hbm:s0], s1  }
0x7b: {  	s0 =	simm.s32 @!p0 $0x1  }
0x7c: {  	_ =	swait.ge @!p0 [sflag:s0], s1  }
0x7d: {  	s1 =	ssub.s32 @!p0 $0x0, s1;
	[sflag:s0] =	ssyncset.done @!p0 $0x0  }
0x7e: {  	[sflag:s0] =	ssyncadd.s32 @!p0 s1  }
0x7f: {  	[bflag:$0x3] =	sbarrier.arrive $0xFFFF  }
0x80: {  	_ =	shalt  }

// kernel: kernel.14.cloned.1.call-start
scs
__scs_entry_jumppad:
0x0: {  	(pc) =	sbr.rel $0x88, $3  }
0x1: {  	(tag) =	ssettag $0x0;
	lr =	simm.s32 $0x1  }
0x2: {  	[smem:$0x3F9B] =	sst lr;
	_ =	strace $0xD0000000  }
0x3: {  	_ = 	snop  }
0x4: {  	_ = 	snop  }
0x5: {  	_ = 	snop  }
0x6: {  	_ = 	snop  }
0x7: {  	_ = 	snop  }
__scs_overlays_trampoline_lowered:
0x8: {  	[smem:$0x3FAA] =	sst s0  }
0x9: {  	[smem:$0x3FAB] =	sst s1  }
0xa: {  	[smem:$0x3FAC] =	sst s2  }
0xb: {  	[smem:$0x3FAD] =	sst s3  }
0xc: {  	[smem:$0x3FAE] =	sst s4  }
0xd: {  	[smem:$0x3FAF] =	sst s5  }
0xe: {  	[smem:$0x3FB0] =	sst s6  }
0xf: {  	[smem:$0x3FB1] =	sst s7  }
0x10: {  	[smem:$0x3FB2] =	sst s8  }
0x11: {  	[smem:$0x3FB3] =	sst s9;
	s0 =	simm.s32 @!p0 $0x0  }
0x12: {  	s1 =	sld [smem:$0x3F99];
	s0 =	simm.s32 @p0 $0x1  }
0x13: {  	[smem:$0x3FB4] =	sst s0;
	s0 =	simm.s32 @!p1 $0x0  }
0x14: {  	s2 =	sld [smem:$0x3F98];
	s0 =	simm.s32 @p1 $0x1  }
0x15: {  	[smem:$0x3FB5] =	sst s0;
	s0 =	simm.s32 @!p2 $0x0  }
0x16: {  	s3 =	sld [smem:$0x3FDB];
	s0 =	simm.s32 @p2 $0x1  }
0x17: {  	s4 =	simm.s32 $0x1BF5;
	[smem:$0x3FB7] =	sst s0  }
0x18: {  	s0 =	sld [smem:$0x3F9A];
	_ =	swait.ge [sflag:s4], $0x0  }
0x19: {  	s7 =	sld [smem:$0x3F9B]  }
0x1a: {  	s8 =	sadd.s32 $0xFFFFE003, lr  }
0x1b: {  	s9 =	sadd.s32 $0xFFFFFEF7, lr;
	s5 =	simm.s32 $0xFFFFFFFF;
	p2 =	slt.u32 s8, $0xFFFFF086  }
0x1c: {  	p1 =	slt.u32 s9, $0xF7A;
	s5 =	simm.s32 @!p2 $0x0  }
0x1d: {  	s5 =	simm.s32 @p1 $0x1;
	p0 =	seq.s32 s7, s2  }
0x1e: {  	s7 =	smul.u32 @!p0 $0xF7A, s2;
	p2 =	seq.s32 @!p0 s5, $0x0  }
0x1f: {  	s9 =	smul.u32 $0xF7A, s1;
	s8 =	simm.s32 @!p0 $0x1BF5;
	p2 =	por !p2, p0  }
0x20: {  	[sflag:s8] =	ssyncset.s32 @!p0 $0xFFFFF086;
	s6 =	sadd.s32 @!p0 s3, s7;
	s7 =	simm.s32 @!p0 $0x108  }
0x21: {  	s3 =	sadd.s32 s3, s9;
	s6 =	sadd.s32 @!p0 $0x88, s6;
	s7 =	simm.s32 @p2 $0x1082  }
0x22: {  	[simem:s7], [sflag:s8] =	dma.local @!p0 [hbm:s6], $0xF7A  }
0x23: {  	s9 =	sor.u32 $0xD0000000, s2;
	s6 =	simm.s32 $0x108;
	_ =	swait.ge @!p0 [sflag:s8], $0x0  }
0x24: {  	s3 =	sadd.s32 $0x88, s3;
	s6 =	simm.s32 @!p1 $0x1082;
	[sflag:s4] =	ssyncset.s32 $0xFFFFF086  }
0x25: {  	[simem:s6], [sflag:s4] =	dma.local [hbm:s3], $0xF7A  }
0x26: {  	[smem:$0x3F9B] =	sst s1;
	(tag) =	ssettag s2;
	_ =	strace s9  }
0x27: {  	s1 =	sld [smem:$0x3FAB]  }
0x28: {  	s2 =	sld [smem:$0x3FAC]  }
0x29: {  	s4 =	sld [smem:$0x3FAE]  }
0x2a: {  	p0 =	seq.s32 s5, $0x0;
	s5 =	sld [smem:$0x3FAF]  }
0x2b: {  	s6 =	sld [smem:$0x3FB0]  }
0x2c: {  	s7 =	sld [smem:$0x3FB1]  }
0x2d: {  	s3 =	simm.s32 $0x108;
	s8 =	sld [smem:$0x3FB2]  }
0x2e: {  	s3 =	simm.s32 @!p0 $0x1082;
	s9 =	sld [smem:$0x3FB3]  }
0x2f: {  	lr =	sadd.s32 s0, s3;
	s0 =	sld [smem:$0x3FAA]  }
0x30: {  	s3 =	sld [smem:$0x3FAD]  }
0x31: {  	[smem:$0x3FB6] =	sst s10  }
0x32: {  	s10 =	sld [smem:$0x3FB4];
	_ =	sdelay $0x3  }
0x33: {  	p0 =	seq.s32 s10, $0x1;
	s10 =	sld [smem:$0x3FB6];
	_ =	sdelay $0x3  }
0x34: {  	[smem:$0x3FB6] =	sst s10  }
0x35: {  	s10 =	sld [smem:$0x3FB5];
	_ =	sdelay $0x3  }
0x36: {  	p1 =	seq.s32 s10, $0x1;
	s10 =	sld [smem:$0x3FB6];
	_ =	sdelay $0x3  }
0x37: {  	[smem:$0x3FB6] =	sst s10  }
0x38: {  	s10 =	sld [smem:$0x3FB7]  }
0x39: {  	_ = 	snop;
	(pc) =	sbr.ind lr, $3  }
0x3a: {  	_ = 	snop  }
0x3b: {  	_ = 	snop  }
0x3c: {  	p2 =	seq.s32 s10, $0x1;
	s10 =	sld [smem:$0x3FB6]  }
0x3d: {  	_ =	shalt  }
0x3e: {  	_ =	shalt  }
0x3f: {  	_ =	shalt  }
0x40: {  	_ =	shalt  }
0x41: {  	_ =	shalt  }
0x42: {  	_ =	shalt  }
0x43: {  	_ =	shalt  }
0x44: {  	_ =	shalt  }
0x45: {  	_ =	shalt  }
0x46: {  	_ =	shalt  }
0x47: {  	_ =	shalt  }
0x48: {  	_ =	shalt  }
0x49: {  	_ =	shalt  }
0x4a: {  	_ =	shalt  }
0x4b: {  	_ =	shalt  }
0x4c: {  	_ =	shalt  }
0x4d: {  	_ =	shalt  }
0x4e: {  	_ =	shalt  }
0x4f: {  	_ =	shalt  }
0x50: {  	_ =	shalt  }
0x51: {  	_ =	shalt  }
0x52: {  	_ =	shalt  }
0x53: {  	_ =	shalt  }
0x54: {  	_ =	shalt  }
0x55: {  	_ =	shalt  }
0x56: {  	_ =	shalt  }
0x57: {  	_ =	shalt  }
0x58: {  	_ =	shalt  }
0x59: {  	_ =	shalt  }
0x5a: {  	_ =	shalt  }
0x5b: {  	_ =	shalt  }
0x5c: {  	_ =	shalt  }
0x5d: {  	_ =	shalt  }
0x5e: {  	_ =	shalt  }
0x5f: {  	_ =	shalt  }
0x60: {  	_ =	shalt  }
0x61: {  	_ =	shalt  }
0x62: {  	_ =	shalt  }
0x63: {  	_ =	shalt  }
0x64: {  	_ =	shalt  }
0x65: {  	_ =	shalt  }
0x66: {  	_ =	shalt  }
0x67: {  	_ =	shalt  }
0x68: {  	_ =	shalt  }
0x69: {  	_ =	shalt  }
0x6a: {  	_ =	shalt  }
0x6b: {  	_ =	shalt  }
0x6c: {  	_ =	shalt  }
0x6d: {  	_ =	shalt  }
0x6e: {  	_ =	shalt  }
0x6f: {  	_ =	shalt  }
0x70: {  	_ =	shalt  }
0x71: {  	_ =	shalt  }
0x72: {  	_ =	shalt  }
0x73: {  	_ =	shalt  }
0x74: {  	_ =	shalt  }
0x75: {  	_ =	shalt  }
0x76: {  	_ =	shalt  }
0x77: {  	_ =	shalt  }
0x78: {  	_ =	shalt  }
0x79: {  	_ =	shalt  }
0x7a: {  	_ =	shalt  }
0x7b: {  	_ =	shalt  }
0x7c: {  	_ =	shalt  }
0x7d: {  	_ =	shalt  }
0x7e: {  	_ =	shalt  }
0x7f: {  	_ =	shalt  }
0x80: {  	_ =	shalt  }
0x81: {  	_ =	shalt  }
0x82: {  	_ =	shalt  }
0x83: {  	_ =	shalt  }
0x84: {  	_ =	shalt  }
0x85: {  	_ =	shalt  }
0x86: {  	_ =	shalt  }
0x87: {  	_ =	shalt  }
.Lfunc_end0:
.L_simem_size_0:
called_computation.2_lowered:
.L_overlay_start_0:
0x88: {  	s2 =	sld [smem:$0x3FD9]  }
0x89: {  	s3 =	sld [smem:$0x3FFE];
	_ =	sdelay $0x1  }
0x8a: {  	s1 =	srdreg.scid  }
0x8b: {  	s0 =	sand.u32 $0x1, s1  }
0x8c: {  	s17 =	sshll.u32 s0, $0xA;
	s2 =	sadd.s32 s3, s2  }
0x8d: {  	s2 =	sadd.s32 s2, s17  }
0x8e: {  	[smem:$0x3FC2] =	sst s2  }
0x8f: {  	_ = 	snop  }
0x90: {  	s2 =	sld [smem:$0x3FD0];
	(tm) =	ssettm $0x1  }
0x91: {  	s18 =	sld [smem:$0x3FFB];
	_ =	sdelay $0x3  }
0x92: {  	_ =	strace s18  }
0x93: {  	s3 =	sld [smem:$0x3FFC];
	_ =	sdelay $0x3  }
0x94: {  	_ =	strace s3  }
0x95: {  	s3 =	sld [smem:$0x3FFD];
	_ =	sdelay $0x3  }
0x96: {  	_ =	strace s3  }
0x97: {  	_ =	strace $0x8FFFFFFF  }
0x98: {  	s19 =	sld [smem:$0x3FDB];
	_ =	sdelay $0x1  }
0x99: {  	s4 =	simm.s32 $_scs_section_size  }
0x9a: {  	s5 =	simm.s32 $_size__tile_overlayer_lowered;
	s6 =	simm.s32 $_tile_overlayer_lowered  }
0x9b: {  	s22 =	simm.s32 $0x1BFF;
	s21 =	sshll.u32 s6, $0x1;
	s3 =	sadd.s32 s4, s19  }
0x9c: {  	s7 =	simm.s32 $0x0;
	s20 =	sshll.u32 s5, $0x1;
	s5 =	sadd.s32 s21, s3  }
0x9d: {  	[timem:s7], [sflag:s22] =	dma.local [hbm:s5], s20  }
0x9e: {  	_ =	swait.ge [sflag:s22], s20  }
0x9f: {  	s4 =	ssub.s32 $0x0, s20;
	[sflag:s22] =	ssyncset.done $0x0  }
0xa0: {  	[sflag:s22] =	ssyncadd.s32 s4;
	_ =	sdelay $0x1  }
0xa1: {  	s23 =	simm.s32 $0x1B8B  }
0xa2: {  	_ =	swait.ge [sflag:s23], $0x1  }
0xa3: {  	[sflag:s23] =	ssyncset.done $0x0  }
0xa4: {  	s25 =	simm.s32 $0x1B8E;
	s24 =	sld [smem:$0x3FFE];
	[sflag:s23] =	ssyncadd.s32 $0xFFFFFFFF  }
0xa5: {  	s26 =	simm.s32 $execute0_lowered;
	[smem:$0x3FD2] =	sst s25  }
0xa6: {  	s5 =	sshll.u32 s26, $0x1;
	_ =	strace $0x8000004C;
	[dreg:$0x1] =	wrdreg $0xFFFFFFFF  }
0xa7: {  	s28 =	simm.s32 $_size_execute0_lowered;
	s3 =	sadd.s32 s3, s5;
	[dreg:$0x0] =	wrdreg $0x0  }
0xa8: {  	s5 =	sshll.u32 s28, $0x1;
	[dreg:$0x2] =	wrdreg s3  }
0xa9: {  	[dreg:$0x3] =	wrdreg s5  }
0xaa: {  	[dreg:$0x4] =	wrdreg $0xC0  }
0xab: {  	_ =	task [dreg:s7], $0x5FFFF  }
0xac: {  	[dreg:$0x1] =	wrdreg $0xFFFFFFFF  }
0xad: {  	[dreg:$0x0] =	wrdreg $0x60  }
0xae: {  	[dreg:$0x2] =	wrdreg s2  }
0xaf: {  	[dreg:$0x3] =	wrdreg s24  }
0xb0: {  	[dreg:$0x4] =	wrdreg $0xB0000  }
0xb1: {  	[dreg:$0x5] =	wrdreg $0x9  }
0xb2: {  	_ =	task.clear_ibuf [dreg:s7], $0x6FFFF;
	_ =	strace $0x9000004C  }
0xb3: {  	s29 =	simm.s32 $0x9;
	_ =	strace $0x8000004E  }
0xb4: {  	_ =	swait.ge [sflag:s29], $0x1  }
0xb5: {  	[sflag:s29] =	ssyncadd.s32 $0xFFFFFFFF  }
0xb6: {  	_ =	strace $0x9000004E  }
0xb7: {  	_ =	sfence  }
0xb8: {  	s30 =	sld [smem:$0x0];
	_ =	sdelay $0x2  }
0xb9: {  	s31 =	sshll.u32 s1, $0xD;
	s1 =	sshrl.u32 s1, $0x2  }
0xba: {  	s3 =	sand.u32 $0x4000, s31;
	s1 =	sadd.s32 s1, s30  }
0xbb: {  	s0 =	sor.u32 s3, s0;
	s1 =	sshll.u32 s1, $0x11  }
0xbc: {  	s0 =	sor.u32 s1, s0  }
0xbd: {  	s0 =	sadd.s32 $0x8F2B, s0  }
0xbe: {  	[sflag:s0] =	ssyncadd.remote.s32 $0x1  }
0xbf: {  	_ =	sfence.sel $0xFFFF  }
0xc0: {  	[dreg:$0x0] =	wrdreg $0xFFFFFFFF;
	(pc) =	sbr.abs _section_cstart, $3  }
0xc1: {  	[dreg:$0x1] =	wrdreg $0xFFFFFFFF  }
0xc2: {  	_ =	task.clear_ibuf [dreg:s7], $0x2FFFF;
	_ =	strace $0x9FFFFFFF  }
0xc3: {  	(tm) =	ssettm $0x7FFFFFFF  }
tec
execute0_lowered:
.L_overlay_start_1:
0x0: {  	(tag) =	ssettag $0x1  }
0x1: {  	s1 =	rddreg [dreg:$0x0]  }
0x2: {  	s6 =	rddreg [dreg:$0x1]  }
0x3: {  	s0 =	srdreg.scid;
	s3 =	rddreg [dreg:$0x2]  }
0x4: {  	s4 =	simm.s32 $0x0;
	s19 =	simm.s32 $0x9000;
	s20 =	simm.s32 $0x1  }
0x5: {  	s21 =	simm.s32 $0x2800;
	s22 =	simm.s32 $0x80;
	s5 =	sand.u32 $0x1, s0  }
0x6: {  	s23 =	simm.s32 $0x5000;
	s0 =	stileid.u32;
	s8 =	smul.u32 $0x140000, s5  }
0x7: {  	[smem:$0x7FF] =	sst s4;
	s2 =	sshll.u32 s5, $0x4;
	s9 =	smul.u32 $0x14000, s0  }
0x8: {  	s10 =	smul.u32 $0x50000, s0;
	s5 =	ssub.s32 $0x2, s5;
	s2 =	sor.u32 s0, s2  }
0x9: {  	s31 =	sshrl.u32 s5, $0x1;
	s7 =	smul.u32 $0x500, s2;
	s2 =	rddreg [dreg:$0x3]  }
0xa: {  	_ =	strace $0x8000004D;
	s8 =	sadd.s32 s9, s8;
	s10 =	sshrl.u32 s10, $0x2  }
0xb: {  	s9 =	ssub.s32 s5, s31;
	s8 =	sshrl.u32 s8, $0x3;
	s5 =	sadd.s32 s10, s3  }
0xc: {  	s9 =	smax.u32 s9, $0x1;
	s7 =	sadd.s32 s7, s6;
	s8 =	sadd.s32 s8, s6  }
0xd: {  	s10 =	sadd.s32 $0x2000, s5;
	s11 =	sadd.s32 $0x4000, s5;
	s12 =	sadd.s32 $0x6000, s5  }
0xe: {  	s13 =	sadd.s32 $0x8000, s5;
	s14 =	sadd.s32 $0xA000, s5;
	s15 =	sadd.s32 $0xC000, s5  }
0xf: {  	s16 =	sadd.s32 $0xE000, s5;
	s17 =	sadd.s32 $0x10000, s5;
	s18 =	sadd.s32 $0x12000, s5  }
0x10: {  	v0 =	vimm.f32 $0.0e+00;
	s6 =	sadd.s32 $0xC800, s7;
	s7 =	sadd.s32 $0x2800, s7;
	s8 =	sadd.s32 $0x16800, s8  }
.LBB2_1:
0x11: {  	s24 =	simm.s32 $0x0;
	s25 =	simm.s32 $0x200  }
.LBB2_2:
0x12: {  	p0 =	sne.s32 s25, $0x7E00;
	[tilespmem:s24+$0x9070] =	vst v0  }
0x13: {  	[tilespmem:s24+$0x9000] =	vst v0  }
0x14: {  	[tilespmem:s24+$0x9010] =	vst v0  }
.Ltmp0:
0x15: {  	[tilespmem:s24+$0x9020] =	vst v0;
	(pc) =	sbr.rel @p0 .LBB2_2-.Ltmp0, $4  }
0x16: {  	[tilespmem:s24+$0x9030] =	vst v0  }
0x17: {  	[tilespmem:s24+$0x9040] =	vst v0  }
0x18: {  	[tilespmem:s24+$0x9050] =	vst v0  }
0x19: {  	[tilespmem:s24+$0x9060] =	vst v0;
	s24 =	sshra.s32 s25, $0x2;
	s25 =	sadd.s32 $0x200, s25  }
0x1a: {  	[tilespmem:s24+$0x9070] =	vst v0  }
0x1b: {  	[tilespmem:s24+$0x9000] =	vst v0  }
0x1c: {  	[tilespmem:s24+$0x9010] =	vst v0  }
0x1d: {  	[tilespmem:s24+$0x9020] =	vst v0  }
0x1e: {  	[tilespmem:s24+$0x9030] =	vst v0  }
0x1f: {  	[tilespmem:s24+$0x9040] =	vst v0  }
0x20: {  	[tilespmem:s24+$0x9050] =	vst v0  }
0x21: {  	[tilespmem:s24+$0x9060] =	vst v0  }
0x22: {  	[spmem:s5] =	stream.linear.scatter [tilespmem:s19], [sflag:$0x1], $0x2000, $0x38;
	[tilespmem:$0x1F000] =	vst v63  }
0x23: {  	_ =	swait.ge [sflag:s20], $0x2000  }
0x24: {  	[sflag:s20] =	ssyncset.done $0x0  }
0x25: {  	[sflag:s20] =	ssyncadd.s32 $0xFFFFE000  }
0x26: {  	[spmem:s10] =	stream.linear.scatter [tilespmem:s19], [sflag:$0x1], $0x2000, $0x38;
	[tilespmem:$0x1F000] =	vst v63  }
0x27: {  	_ =	swait.ge [sflag:s20], $0x2000  }
0x28: {  	[sflag:s20] =	ssyncset.done $0x0  }
0x29: {  	[sflag:s20] =	ssyncadd.s32 $0xFFFFE000  }
0x2a: {  	[spmem:s11] =	stream.linear.scatter [tilespmem:s19], [sflag:$0x1], $0x2000, $0x38;
	[tilespmem:$0x1F000] =	vst v63  }
0x2b: {  	_ =	swait.ge [sflag:s20], $0x2000  }
0x2c: {  	[sflag:s20] =	ssyncset.done $0x0  }
0x2d: {  	[sflag:s20] =	ssyncadd.s32 $0xFFFFE000  }
0x2e: {  	[spmem:s12] =	stream.linear.scatter [tilespmem:s19], [sflag:$0x1], $0x2000, $0x38;
	[tilespmem:$0x1F000] =	vst v63  }
0x2f: {  	_ =	swait.ge [sflag:s20], $0x2000  }
0x30: {  	[sflag:s20] =	ssyncset.done $0x0  }
0x31: {  	[sflag:s20] =	ssyncadd.s32 $0xFFFFE000  }
0x32: {  	[spmem:s13] =	stream.linear.scatter [tilespmem:s19], [sflag:$0x1], $0x2000, $0x38;
	[tilespmem:$0x1F000] =	vst v63  }
0x33: {  	_ =	swait.ge [sflag:s20], $0x2000  }
0x34: {  	[sflag:s20] =	ssyncset.done $0x0  }
0x35: {  	[sflag:s20] =	ssyncadd.s32 $0xFFFFE000  }
0x36: {  	[spmem:s14] =	stream.linear.scatter [tilespmem:s19], [sflag:$0x1], $0x2000, $0x38;
	[tilespmem:$0x1F000] =	vst v63  }
0x37: {  	_ =	swait.ge [sflag:s20], $0x2000  }
0x38: {  	[sflag:s20] =	ssyncset.done $0x0  }
0x39: {  	[sflag:s20] =	ssyncadd.s32 $0xFFFFE000  }
0x3a: {  	[spmem:s15] =	stream.linear.scatter [tilespmem:s19], [sflag:$0x1], $0x2000, $0x38;
	[tilespmem:$0x1F000] =	vst v63  }
0x3b: {  	_ =	swait.ge [sflag:s20], $0x2000  }
0x3c: {  	[sflag:s20] =	ssyncset.done $0x0  }
0x3d: {  	[sflag:s20] =	ssyncadd.s32 $0xFFFFE000  }
0x3e: {  	[spmem:s16] =	stream.linear.scatter [tilespmem:s19], [sflag:$0x1], $0x2000, $0x38;
	[tilespmem:$0x1F000] =	vst v63  }
0x3f: {  	_ =	swait.ge [sflag:s20], $0x2000  }
0x40: {  	[sflag:s20] =	ssyncset.done $0x0  }
0x41: {  	[sflag:s20] =	ssyncadd.s32 $0xFFFFE000  }
0x42: {  	[spmem:s17] =	stream.linear.scatter [tilespmem:s19], [sflag:$0x1], $0x2000, $0x38;
	[tilespmem:$0x1F000] =	vst v63  }
0x43: {  	_ =	swait.ge [sflag:s20], $0x2000  }
0x44: {  	[sflag:s20] =	ssyncset.done $0x0  }
0x45: {  	[sflag:s20] =	ssyncadd.s32 $0xFFFFE000  }
0x46: {  	[spmem:s18] =	stream.linear.scatter [tilespmem:s19], [sflag:$0x1], $0x2000, $0x38;
	[tilespmem:$0x1F000] =	vst v63  }
0x47: {  	_ =	swait.ge [sflag:s20], $0x2000  }
0x48: {  	[sflag:s20] =	ssyncset.done $0x0  }
0x49: {  	[sflag:s20] =	ssyncadd.s32 $0xFFFFE000  }
0x4a: {  	s29 =	simm.s32 $0x0;
	[bflag:$0x0] =	sbarrier.arrive $0xFFFF  }
0x4b: {  	[tilespmem:s29], [sflag:$0x1] =	stream.linear.gather [hbm4b:s6+s29], $0x2780, $0x38;
	[tilespmem:$0x1F000] =	vst v63  }
0x4c: {  	_ =	swait.ge [sflag:s20], $0x2780  }
0x4d: {  	[sflag:s20] =	ssyncset.done $0x0  }
0x4e: {  	[sflag:s20] =	ssyncadd.s32 $0xFFFFD880  }
0x4f: {  	[tilespmem:s21], [sflag:$0x1] =	stream.linear.gather [hbm4b:s7+s29], $0x2780, $0x38;
	[tilespmem:$0x1F000] =	vst v63  }
0x50: {  	_ =	swait.ge [sflag:s20], $0x2780  }
0x51: {  	[sflag:s20] =	ssyncset.done $0x0  }
0x52: {  	s30 =	simm.s32 $0x0;
	[sflag:s20] =	ssyncadd.s32 $0xFFFFD880  }
0x53: {  	[tilespmem:s23], [sflag:$0x1] =	stream.indirect.gather [hbm4b:s1+s22], $0x80, s30, s22, $0xb8;
	[tilespmem:$0x1F000] =	vst v63  }
0x54: {  	_ =	swait.ge [sflag:s20], $0x4000  }
0x55: {  	[sflag:s20] =	ssyncset.done $0x0  }
0x56: {  	s31 =	simm.s32 $0x2800;
	[sflag:s20] =	ssyncadd.s32 $0xFFFFC000  }
0x57: {  	[spmem:s3] =	stream.indirect.scatter.add.f32 [tilespmem:s23], [sflag:$0x1], $0x80, s31, s22, $0xb8;
	[tilespmem:$0x1F000] =	vst v63  }
0x58: {  	_ =	swait.ge [sflag:s20], $0x4000  }
0x59: {  	s24 =	simm.s32 $0x200;
	s25 =	simm.s32 $0x400;
	[sflag:s20] =	ssyncset.done $0x0  }
.LBB2_4:
0x5a: {  	s26 =	sshra.s32 s24, $0x2  }
0x5b: {  	[sflag:s20] =	ssyncadd.s32 $0xFFFFC000;
	s24 =	smov.u32 s25;
	s28 =	sadd.s32 $0x200, s25  }
0x5c: {  	[tilespmem:s23], [sflag:$0x1] =	stream.indirect.gather [hbm4b:s1+s22], $0x80, s26, s22, $0xb8;
	[tilespmem:$0x1F000] =	vst v63  }
0x5d: {  	p0 =	sne.s32 s25, $0x9C00;
	_ =	swait.ge [sflag:s20], $0x4000  }
.Ltmp1:
0x5e: {  	[sflag:s20] =	ssyncset.done $0x0;
	(pc) =	sbr.rel @p0 .LBB2_4-.Ltmp1, $4  }
0x5f: {  	s25 =	sadd.s32 $0x2800, s26;
	[sflag:s20] =	ssyncadd.s32 $0xFFFFC000  }
0x60: {  	[spmem:s3] =	stream.indirect.scatter.add.f32 [tilespmem:s23], [sflag:$0x1], $0x80, s25, s22, $0xb8;
	[tilespmem:$0x1F000] =	vst v63  }
0x61: {  	_ =	swait.ge [sflag:s20], $0x4000  }
0x62: {  	s25 =	smov.u32 s28;
	[sflag:s20] =	ssyncset.done $0x0  }
0x63: {  	s24 =	sshra.s32 s24, $0x2;
	[sflag:s20] =	ssyncadd.s32 $0xFFFFC000  }
0x64: {  	[tilespmem:s23], [sflag:$0x1] =	stream.indirect.gather [hbm4b:s1+s22], $0x80, s24, s22, $0xb8;
	[tilespmem:$0x1F000] =	vst v63  }
0x65: {  	_ =	swait.ge [sflag:s20], $0x4000  }
0x66: {  	[sflag:s20] =	ssyncset.done $0x0  }
0x67: {  	s24 =	sadd.s32 $0x2800, s24;
	[sflag:s20] =	ssyncadd.s32 $0xFFFFC000  }
0x68: {  	[spmem:s3] =	stream.indirect.scatter.add.f32 [tilespmem:s23], [sflag:$0x1], $0x80, s24, s22, $0xb8;
	[tilespmem:$0x1F000] =	vst v63  }
0x69: {  	_ =	swait.ge [sflag:s20], $0x4000  }
0x6a: {  	s31 =	sshll.u32 s0, $0x6;
	s4 =	sadd.s32 $0x1, s4;
	[sflag:s20] =	ssyncset.done $0x0  }
0x6b: {  	s25 =	sshrl.u32 s5, $0x3;
	p0 =	sne.s32 s4, s9;
	[sflag:s20] =	ssyncadd.s32 $0xFFFFC000  }
.Ltmp2:
0x6c: {  	s24 =	sor.u32 $0x1C01, s31;
	[bflag:$0x0] =	sbarrier.arrive $0xFFFF;
	(pc) =	sbr.rel @p0 .LBB2_1-.Ltmp2, $4  }
0x6d: {  	[hbm:s8], [sflag:s24] =	dma.local [spmem:s25], $0x2800  }
0x6e: {  	_ =	swait.ge [sflag:s20], $0x2800  }
0x6f: {  	[sflag:s20] =	ssyncset.done $0x0  }
0x70: {  	[sflag:s20] =	ssyncadd.s32 $0xFFFFD800  }
0x71: {  	_ =	sfence.sel $0x180000  }
0x72: {  	[bflag:$0x0] =	sbarrier.arrive $0xFFFF  }
0x73: {  	p0 =	sne.s32 s0, $0x0;
	_ =	strace $0x9000004D  }
0x74: {  	s0 =	sadd.s32 @!p0 $0x100000, s2;
	[bflag:$0x2] =	sbarrier.arrive $0xFFFF  }
0x75: {  	[sflag:s0] =	ssyncadd.tile.s32 @!p0 $0x1;
	_ =	shalt  }
.Lfunc_end2:
_tile_overlayer_lowered:
.L_overlay_start_2:
0x76: {  	(tag) =	ssettag $0x2  }
0x77: {  	s0 =	rddreg [dreg:$0x0];
	s2 =	stileid.u32  }
0x78: {  	s1 =	rddreg [dreg:$0x1];
	p0 =	sne.s32 s2, $0x0  }
0x79: {  	s3 =	rddreg [dreg:$0x2];
	[bflag:$0x3] =	sbarrier.arrive $0xFFFF;
	s2 =	simm.s32 @!p0 $0x1C01  }
0x7a: {  	[timem:s3], [sflag:s2] =	dma.local @!p0 [hbm:s0], s1  }
0x7b: {  	s0 =	simm.s32 @!p0 $0x1  }
0x7c: {  	_ =	swait.ge @!p0 [sflag:s0], s1  }
0x7d: {  	s1 =	ssub.s32 @!p0 $0x0, s1;
	[sflag:s0] =	ssyncset.done @!p0 $0x0  }
0x7e: {  	[sflag:s0] =	ssyncadd.s32 @!p0 s1  }
0x7f: {  	[bflag:$0x3] =	sbarrier.arrive $0xFFFF  }
0x80: {  	_ =	shalt  }

// kernel: kernel.8.cloned.1.call-start
scs
__scs_entry_jumppad:
0x0: {  	(pc) =	sbr.rel $0x88, $3  }
0x1: {  	(tag) =	ssettag $0x0;
	lr =	simm.s32 $0x1  }
0x2: {  	[smem:$0x3F9B] =	sst lr;
	_ =	strace $0xD0000000  }
0x3: {  	_ = 	snop  }
0x4: {  	_ = 	snop  }
0x5: {  	_ = 	snop  }
0x6: {  	_ = 	snop  }
0x7: {  	_ = 	snop  }
__scs_overlays_trampoline_lowered:
0x8: {  	[smem:$0x3FAA] =	sst s0  }
0x9: {  	[smem:$0x3FAB] =	sst s1  }
0xa: {  	[smem:$0x3FAC] =	sst s2  }
0xb: {  	[smem:$0x3FAD] =	sst s3  }
0xc: {  	[smem:$0x3FAE] =	sst s4  }
0xd: {  	[smem:$0x3FAF] =	sst s5  }
0xe: {  	[smem:$0x3FB0] =	sst s6  }
0xf: {  	[smem:$0x3FB1] =	sst s7  }
0x10: {  	[smem:$0x3FB2] =	sst s8  }
0x11: {  	[smem:$0x3FB3] =	sst s9;
	s0 =	simm.s32 @!p0 $0x0  }
0x12: {  	s1 =	sld [smem:$0x3F99];
	s0 =	simm.s32 @p0 $0x1  }
0x13: {  	[smem:$0x3FB4] =	sst s0;
	s0 =	simm.s32 @!p1 $0x0  }
0x14: {  	s2 =	sld [smem:$0x3F98];
	s0 =	simm.s32 @p1 $0x1  }
0x15: {  	[smem:$0x3FB5] =	sst s0;
	s0 =	simm.s32 @!p2 $0x0  }
0x16: {  	s3 =	sld [smem:$0x3FDB];
	s0 =	simm.s32 @p2 $0x1  }
0x17: {  	s4 =	simm.s32 $0x1BF5;
	[smem:$0x3FB7] =	sst s0  }
0x18: {  	s0 =	sld [smem:$0x3F9A];
	_ =	swait.ge [sflag:s4], $0x0  }
0x19: {  	s7 =	sld [smem:$0x3F9B]  }
0x1a: {  	s8 =	sadd.s32 $0xFFFFE003, lr  }
0x1b: {  	s9 =	sadd.s32 $0xFFFFFEF7, lr;
	s5 =	simm.s32 $0xFFFFFFFF;
	p2 =	slt.u32 s8, $0xFFFFF086  }
0x1c: {  	p1 =	slt.u32 s9, $0xF7A;
	s5 =	simm.s32 @!p2 $0x0  }
0x1d: {  	s5 =	simm.s32 @p1 $0x1;
	p0 =	seq.s32 s7, s2  }
0x1e: {  	s7 =	smul.u32 @!p0 $0xF7A, s2;
	p2 =	seq.s32 @!p0 s5, $0x0  }
0x1f: {  	s9 =	smul.u32 $0xF7A, s1;
	s8 =	simm.s32 @!p0 $0x1BF5;
	p2 =	por !p2, p0  }
0x20: {  	[sflag:s8] =	ssyncset.s32 @!p0 $0xFFFFF086;
	s6 =	sadd.s32 @!p0 s3, s7;
	s7 =	simm.s32 @!p0 $0x108  }
0x21: {  	s3 =	sadd.s32 s3, s9;
	s6 =	sadd.s32 @!p0 $0x88, s6;
	s7 =	simm.s32 @p2 $0x1082  }
0x22: {  	[simem:s7], [sflag:s8] =	dma.local @!p0 [hbm:s6], $0xF7A  }
0x23: {  	s9 =	sor.u32 $0xD0000000, s2;
	s6 =	simm.s32 $0x108;
	_ =	swait.ge @!p0 [sflag:s8], $0x0  }
0x24: {  	s3 =	sadd.s32 $0x88, s3;
	s6 =	simm.s32 @!p1 $0x1082;
	[sflag:s4] =	ssyncset.s32 $0xFFFFF086  }
0x25: {  	[simem:s6], [sflag:s4] =	dma.local [hbm:s3], $0xF7A  }
0x26: {  	[smem:$0x3F9B] =	sst s1;
	(tag) =	ssettag s2;
	_ =	strace s9  }
0x27: {  	s1 =	sld [smem:$0x3FAB]  }
0x28: {  	s2 =	sld [smem:$0x3FAC]  }
0x29: {  	s4 =	sld [smem:$0x3FAE]  }
0x2a: {  	p0 =	seq.s32 s5, $0x0;
	s5 =	sld [smem:$0x3FAF]  }
0x2b: {  	s6 =	sld [smem:$0x3FB0]  }
0x2c: {  	s7 =	sld [smem:$0x3FB1]  }
0x2d: {  	s3 =	simm.s32 $0x108;
	s8 =	sld [smem:$0x3FB2]  }
0x2e: {  	s3 =	simm.s32 @!p0 $0x1082;
	s9 =	sld [smem:$0x3FB3]  }
0x2f: {  	lr =	sadd.s32 s0, s3;
	s0 =	sld [smem:$0x3FAA]  }
0x30: {  	s3 =	sld [smem:$0x3FAD]  }
0x31: {  	[smem:$0x3FB6] =	sst s10  }
0x32: {  	s10 =	sld [smem:$0x3FB4];
	_ =	sdelay $0x3  }
0x33: {  	p0 =	seq.s32 s10, $0x1;
	s10 =	sld [smem:$0x3FB6];
	_ =	sdelay $0x3  }
0x34: {  	[smem:$0x3FB6] =	sst s10  }
0x35: {  	s10 =	sld [smem:$0x3FB5];
	_ =	sdelay $0x3  }
0x36: {  	p1 =	seq.s32 s10, $0x1;
	s10 =	sld [smem:$0x3FB6];
	_ =	sdelay $0x3  }
0x37: {  	[smem:$0x3FB6] =	sst s10  }
0x38: {  	s10 =	sld [smem:$0x3FB7]  }
0x39: {  	_ = 	snop;
	(pc) =	sbr.ind lr, $3  }
0x3a: {  	_ = 	snop  }
0x3b: {  	_ = 	snop  }
0x3c: {  	p2 =	seq.s32 s10, $0x1;
	s10 =	sld [smem:$0x3FB6]  }
0x3d: {  	_ =	shalt  }
0x3e: {  	_ =	shalt  }
0x3f: {  	_ =	shalt  }
0x40: {  	_ =	shalt  }
0x41: {  	_ =	shalt  }
0x42: {  	_ =	shalt  }
0x43: {  	_ =	shalt  }
0x44: {  	_ =	shalt  }
0x45: {  	_ =	shalt  }
0x46: {  	_ =	shalt  }
0x47: {  	_ =	shalt  }
0x48: {  	_ =	shalt  }
0x49: {  	_ =	shalt  }
0x4a: {  	_ =	shalt  }
0x4b: {  	_ =	shalt  }
0x4c: {  	_ =	shalt  }
0x4d: {  	_ =	shalt  }
0x4e: {  	_ =	shalt  }
0x4f: {  	_ =	shalt  }
0x50: {  	_ =	shalt  }
0x51: {  	_ =	shalt  }
0x52: {  	_ =	shalt  }
0x53: {  	_ =	shalt  }
0x54: {  	_ =	shalt  }
0x55: {  	_ =	shalt  }
0x56: {  	_ =	shalt  }
0x57: {  	_ =	shalt  }
0x58: {  	_ =	shalt  }
0x59: {  	_ =	shalt  }
0x5a: {  	_ =	shalt  }
0x5b: {  	_ =	shalt  }
0x5c: {  	_ =	shalt  }
0x5d: {  	_ =	shalt  }
0x5e: {  	_ =	shalt  }
0x5f: {  	_ =	shalt  }
0x60: {  	_ =	shalt  }
0x61: {  	_ =	shalt  }
0x62: {  	_ =	shalt  }
0x63: {  	_ =	shalt  }
0x64: {  	_ =	shalt  }
0x65: {  	_ =	shalt  }
0x66: {  	_ =	shalt  }
0x67: {  	_ =	shalt  }
0x68: {  	_ =	shalt  }
0x69: {  	_ =	shalt  }
0x6a: {  	_ =	shalt  }
0x6b: {  	_ =	shalt  }
0x6c: {  	_ =	shalt  }
0x6d: {  	_ =	shalt  }
0x6e: {  	_ =	shalt  }
0x6f: {  	_ =	shalt  }
0x70: {  	_ =	shalt  }
0x71: {  	_ =	shalt  }
0x72: {  	_ =	shalt  }
0x73: {  	_ =	shalt  }
0x74: {  	_ =	shalt  }
0x75: {  	_ =	shalt  }
0x76: {  	_ =	shalt  }
0x77: {  	_ =	shalt  }
0x78: {  	_ =	shalt  }
0x79: {  	_ =	shalt  }
0x7a: {  	_ =	shalt  }
0x7b: {  	_ =	shalt  }
0x7c: {  	_ =	shalt  }
0x7d: {  	_ =	shalt  }
0x7e: {  	_ =	shalt  }
0x7f: {  	_ =	shalt  }
0x80: {  	_ =	shalt  }
0x81: {  	_ =	shalt  }
0x82: {  	_ =	shalt  }
0x83: {  	_ =	shalt  }
0x84: {  	_ =	shalt  }
0x85: {  	_ =	shalt  }
0x86: {  	_ =	shalt  }
0x87: {  	_ =	shalt  }
.Lfunc_end0:
.L_simem_size_0:
called_computation_lowered:
.L_overlay_start_0:
0x88: {  	s2 =	sld [smem:$0x3FD9]  }
0x89: {  	s3 =	sld [smem:$0x3FFE];
	_ =	sdelay $0x1  }
0x8a: {  	s1 =	srdreg.scid  }
0x8b: {  	s0 =	sand.u32 $0x1, s1  }
0x8c: {  	s17 =	sshll.u32 s0, $0xA;
	s2 =	sadd.s32 s3, s2  }
0x8d: {  	s2 =	sadd.s32 s2, s17  }
0x8e: {  	[smem:$0x3FC2] =	sst s2  }
0x8f: {  	_ = 	snop  }
0x90: {  	s2 =	sld [smem:$0x3FD0];
	(tm) =	ssettm $0x1  }
0x91: {  	s18 =	sld [smem:$0x3FFB];
	_ =	sdelay $0x3  }
0x92: {  	_ =	strace s18  }
0x93: {  	s3 =	sld [smem:$0x3FFC];
	_ =	sdelay $0x3  }
0x94: {  	_ =	strace s3  }
0x95: {  	s3 =	sld [smem:$0x3FFD];
	_ =	sdelay $0x3  }
0x96: {  	_ =	strace s3  }
0x97: {  	_ =	strace $0x8FFFFFFF  }
0x98: {  	s19 =	sld [smem:$0x3FDB];
	_ =	sdelay $0x1  }
0x99: {  	s4 =	simm.s32 $_scs_section_size  }
0x9a: {  	s5 =	simm.s32 $_size__tile_overlayer_lowered;
	s6 =	simm.s32 $_tile_overlayer_lowered  }
0x9b: {  	s22 =	simm.s32 $0x1BFF;
	s21 =	sshll.u32 s6, $0x1;
	s3 =	sadd.s32 s4, s19  }
0x9c: {  	s7 =	simm.s32 $0x0;
	s20 =	sshll.u32 s5, $0x1;
	s5 =	sadd.s32 s21, s3  }
0x9d: {  	[timem:s7], [sflag:s22] =	dma.local [hbm:s5], s20  }
0x9e: {  	_ =	swait.ge [sflag:s22], s20  }
0x9f: {  	s4 =	ssub.s32 $0x0, s20;
	[sflag:s22] =	ssyncset.done $0x0  }
0xa0: {  	[sflag:s22] =	ssyncadd.s32 s4;
	_ =	sdelay $0x1  }
0xa1: {  	s23 =	simm.s32 $0x1B8B  }
0xa2: {  	_ =	swait.ge [sflag:s23], $0x1  }
0xa3: {  	[sflag:s23] =	ssyncset.done $0x0  }
0xa4: {  	s25 =	simm.s32 $0x1B8E;
	s24 =	sld [smem:$0x3FFE];
	[sflag:s23] =	ssyncadd.s32 $0xFFFFFFFF  }
0xa5: {  	s26 =	simm.s32 $execute0_lowered;
	[smem:$0x3FD2] =	sst s25  }
0xa6: {  	s5 =	sshll.u32 s26, $0x1;
	_ =	strace $0x80000046;
	[dreg:$0x1] =	wrdreg $0xFFFFFFFF  }
0xa7: {  	s28 =	simm.s32 $_size_execute0_lowered;
	s3 =	sadd.s32 s3, s5;
	[dreg:$0x0] =	wrdreg $0x0  }
0xa8: {  	s5 =	sshll.u32 s28, $0x1;
	[dreg:$0x2] =	wrdreg s3  }
0xa9: {  	[dreg:$0x3] =	wrdreg s5  }
0xaa: {  	[dreg:$0x4] =	wrdreg $0xC0  }
0xab: {  	_ =	task [dreg:s7], $0x5FFFF  }
0xac: {  	[dreg:$0x1] =	wrdreg $0xFFFFFFFF  }
0xad: {  	[dreg:$0x0] =	wrdreg $0x60  }
0xae: {  	[dreg:$0x2] =	wrdreg s24  }
0xaf: {  	[dreg:$0x3] =	wrdreg s2  }
0xb0: {  	[dreg:$0x4] =	wrdreg $0x2B000  }
0xb1: {  	[dreg:$0x5] =	wrdreg $0x9  }
0xb2: {  	_ =	task.clear_ibuf [dreg:s7], $0x6FFFF;
	_ =	strace $0x90000046  }
0xb3: {  	s29 =	simm.s32 $0x9;
	_ =	strace $0x80000048  }
0xb4: {  	_ =	swait.ge [sflag:s29], $0x1  }
0xb5: {  	[sflag:s29] =	ssyncadd.s32 $0xFFFFFFFF  }
0xb6: {  	_ =	strace $0x90000048  }
0xb7: {  	_ =	sfence  }
0xb8: {  	s30 =	sld [smem:$0x0];
	_ =	sdelay $0x2  }
0xb9: {  	s31 =	sshll.u32 s1, $0xD;
	s1 =	sshrl.u32 s1, $0x2  }
0xba: {  	s3 =	sand.u32 $0x4000, s31;
	s1 =	sadd.s32 s1, s30  }
0xbb: {  	s0 =	sor.u32 s3, s0;
	s1 =	sshll.u32 s1, $0x11  }
0xbc: {  	s0 =	sor.u32 s1, s0  }
0xbd: {  	s0 =	sadd.s32 $0x8F2B, s0  }
0xbe: {  	[sflag:s0] =	ssyncadd.remote.s32 $0x1  }
0xbf: {  	_ =	sfence.sel $0xFFFF  }
0xc0: {  	[dreg:$0x0] =	wrdreg $0xFFFFFFFF;
	(pc) =	sbr.abs _section_cstart, $3  }
0xc1: {  	[dreg:$0x1] =	wrdreg $0xFFFFFFFF  }
0xc2: {  	_ =	task.clear_ibuf [dreg:s7], $0x2FFFF;
	_ =	strace $0x9FFFFFFF  }
0xc3: {  	(tm) =	ssettm $0x7FFFFFFF  }
tec
execute0_lowered:
.L_overlay_start_1:
0x0: {  	(tag) =	ssettag $0x1  }
0x1: {  	s4 =	rddreg [dreg:$0x0]  }
0x2: {  	s6 =	rddreg [dreg:$0x1]  }
0x3: {  	s0 =	srdreg.scid;
	s2 =	rddreg [dreg:$0x2]  }
0x4: {  	s3 =	simm.s32 $0x0;
	s11 =	simm.s32 $0x2800;
	s14 =	simm.s32 $0x20  }
0x5: {  	s15 =	simm.s32 $0x10;
	s5 =	sand.u32 $0x1, s0;
	s0 =	stileid.u32  }
0x6: {  	s16 =	simm.s32 $0x0;
	[smem:$0x7FF] =	sst s3;
	s8 =	smul.u32 $0xA00, s0  }
0x7: {  	s1 =	sshll.u32 s5, $0x4;
	s9 =	ssub.s32 $0x2, s5;
	s10 =	smul.u32 $0x500, s0  }
0x8: {  	s5 =	sshll.u32 s5, $0x7;
	s12 =	sshll.u32 s0, $0x6;
	s7 =	sor.u32 s0, s1  }
0x9: {  	s1 =	rddreg [dreg:$0x3];
	_ =	strace $0x80000047;
	s28 =	sshrl.u32 s9, $0x1  }
0xa: {  	s12 =	sor.u32 $0x1C01, s12;
	s7 =	smul.u32 $0x500, s7;
	s9 =	ssub.s32 s9, s28  }
0xb: {  	s29 =	sshrl.u32 s8, $0x2;
	s30 =	sor.u32 s5, s10;
	s8 =	simm.s32 $0x2880  }
0xc: {  	s10 =	simm.s32 $0x80;
	s31 =	sshrl.u32 s30, $0x3;
	s7 =	sadd.s32 s7, s4  }
0xd: {  	s4 =	sadd.s32 s29, s2;
	s6 =	sadd.s32 s6, s31;
	s5 =	sadd.s32 $0x2800, s7  }
0xe: {  	v0 =	vimm.f32 $1.000000000e+00;
	v1 =	vimm.f32 $0.0e+00;
	s7 =	smax.u32 s9, $0x1;
	s9 =	simm.s32 $0x1;
	s13 =	sshrl.u32 s4, $0x3  }
.LBB2_1:
0xf: {  	[tilespmem:$0x2800] =	vst v0  }
0x10: {  	[tilespmem:$0x2810] =	vst v0  }
0x11: {  	[tilespmem:$0x2820] =	vst v0  }
0x12: {  	[tilespmem:$0x2830] =	vst v0  }
0x13: {  	[tilespmem:$0x2840] =	vst v0  }
0x14: {  	[tilespmem:$0x2850] =	vst v0  }
0x15: {  	[tilespmem:$0x2860] =	vst v0  }
0x16: {  	[tilespmem:$0x2870] =	vst v0  }
0x17: {  	[tilespmem:$0x2880] =	vst v1  }
0x18: {  	[tilespmem:$0x2890] =	vst v1  }
0x19: {  	[tilespmem:$0x28A0] =	vst v1  }
0x1a: {  	[tilespmem:$0x28B0] =	vst v1  }
0x1b: {  	[tilespmem:$0x28C0] =	vst v1  }
0x1c: {  	[tilespmem:$0x28D0] =	vst v1  }
0x1d: {  	[tilespmem:$0x28E0] =	vst v1  }
0x1e: {  	[tilespmem:$0x28F0] =	vst v1  }
0x1f: {  	[tilespmem:$0x2900] =	vst v1  }
0x20: {  	[tilespmem:$0x2910] =	vst v1  }
0x21: {  	[tilespmem:$0x2920] =	vst v1  }
0x22: {  	[tilespmem:$0x2930] =	vst v1  }
0x23: {  	[tilespmem:$0x2940] =	vst v1  }
0x24: {  	[tilespmem:$0x2950] =	vst v1  }
0x25: {  	[tilespmem:$0x2960] =	vst v1  }
0x26: {  	[tilespmem:$0x2970] =	vst v1  }
0x27: {  	[tilespmem:$0x2980] =	vst v1  }
0x28: {  	[tilespmem:$0x2990] =	vst v1  }
0x29: {  	[tilespmem:$0x29A0] =	vst v1  }
0x2a: {  	[tilespmem:$0x29B0] =	vst v1  }
0x2b: {  	[tilespmem:$0x29C0] =	vst v1  }
0x2c: {  	[tilespmem:$0x29D0] =	vst v1  }
0x2d: {  	[tilespmem:$0x29E0] =	vst v1  }
0x2e: {  	[tilespmem:$0x29F0] =	vst v1  }
0x2f: {  	[tilespmem:$0x2A00] =	vst v1  }
0x30: {  	[tilespmem:$0x2A10] =	vst v1  }
0x31: {  	[tilespmem:$0x2A20] =	vst v1  }
0x32: {  	[tilespmem:$0x2A30] =	vst v1  }
0x33: {  	[tilespmem:$0x2A40] =	vst v1  }
0x34: {  	[tilespmem:$0x2A50] =	vst v1  }
0x35: {  	[tilespmem:$0x2A60] =	vst v1  }
0x36: {  	[tilespmem:$0x2A70] =	vst v1  }
0x37: {  	[tilespmem:$0x2A80] =	vst v1  }
0x38: {  	[tilespmem:$0x2A90] =	vst v1  }
0x39: {  	[tilespmem:$0x2AA0] =	vst v1  }
0x3a: {  	[tilespmem:$0x2AB0] =	vst v1  }
0x3b: {  	[tilespmem:$0x2AC0] =	vst v1  }
0x3c: {  	[tilespmem:$0x2AD0] =	vst v1  }
0x3d: {  	[tilespmem:$0x2AE0] =	vst v1  }
0x3e: {  	[tilespmem:$0x2AF0] =	vst v1  }
0x3f: {  	[spmem:s4] =	stream.linear.scatter [tilespmem:s8], [sflag:$0x1], $0x280, $0x38;
	[tilespmem:$0x2D80] =	vst v63  }
0x40: {  	_ =	swait.ge [sflag:s9], $0x280  }
0x41: {  	[sflag:s9] =	ssyncset.done $0x0  }
0x42: {  	[sflag:s9] =	ssyncadd.s32 $0xFFFFFD80  }
0x43: {  	[bflag:$0x0] =	sbarrier.arrive $0xFFFF  }
0x44: {  	[tilespmem:s3], [sflag:$0x1] =	stream.linear.gather [hbm4b:s5+s3], $0x2780, $0x38;
	[tilespmem:$0x2D80] =	vst v63  }
0x45: {  	_ =	swait.ge [sflag:s9], $0x2780  }
0x46: {  	[sflag:s9] =	ssyncset.done $0x0  }
0x47: {  	s17 =	simm.s32 $0x0;
	[sflag:s9] =	ssyncadd.s32 $0xFFFFD880  }
0x48: {  	[spmem:s2] =	stream.indirect.scatter.add.f32 [tilespmem:s11], [sflag:$0x1], $0x1, s17, s10, $0xb8;
	[tilespmem:$0x2D80] =	vst v63  }
0x49: {  	_ =	swait.ge [sflag:s9], $0x80  }
0x4a: {  	s17 =	simm.s32 $0x200;
	[sflag:s9] =	ssyncset.done $0x0  }
.LBB2_2:
0x4b: {  	s18 =	sshra.s32 s17, $0x2;
	[sflag:s9] =	ssyncadd.s32 $0xFFFFFF80;
	p0 =	sne.s32 s17, $0x9C00  }
0x4c: {  	[spmem:s2] =	stream.indirect.scatter.add.f32 [tilespmem:s11], [sflag:$0x1], $0x1, s18, s10, $0xb8;
	[tilespmem:$0x2D80] =	vst v63  }
.Ltmp0:
0x4d: {  	_ = 	snop;
	(pc) =	sbr.rel @p0 .LBB2_2-.Ltmp0, $4  }
0x4e: {  	_ = 	snop  }
0x4f: {  	s17 =	sadd.s32 $0x200, s17  }
0x50: {  	_ =	swait.ge [sflag:s9], $0x80  }
0x51: {  	[sflag:s9] =	ssyncset.done $0x0  }
0x52: {  	s16 =	sadd.s32 $0x1, s16  }
0x53: {  	[sflag:s9] =	ssyncadd.s32 $0xFFFFFF80;
	p0 =	sne.s32 s16, s7  }
.Ltmp1:
0x54: {  	[bflag:$0x0] =	sbarrier.arrive $0xFFFF;
	(pc) =	sbr.rel @p0 .LBB2_1-.Ltmp1, $4  }
0x55: {  	[hbm:s6@s14], [sflag:s12] =	dma.strided [spmem:s13@s15], $0x50, s9, $0x10   }
0x56: {  	_ =	swait.ge [sflag:s9], $0x50  }
0x57: {  	[sflag:s9] =	ssyncset.done $0x0  }
0x58: {  	[sflag:s9] =	ssyncadd.s32 $0xFFFFFFB0  }
0x59: {  	_ =	sfence.sel $0x180000  }
0x5a: {  	[bflag:$0x0] =	sbarrier.arrive $0xFFFF  }
0x5b: {  	p0 =	sne.s32 s0, $0x0;
	_ =	strace $0x90000047  }
0x5c: {  	s0 =	sadd.s32 @!p0 $0x100000, s1;
	[bflag:$0x2] =	sbarrier.arrive $0xFFFF  }
0x5d: {  	[sflag:s0] =	ssyncadd.tile.s32 @!p0 $0x1;
	_ =	shalt  }
.Lfunc_end2:
_tile_overlayer_lowered:
.L_overlay_start_2:
0x5e: {  	(tag) =	ssettag $0x2  }
0x5f: {  	s0 =	rddreg [dreg:$0x0];
	s2 =	stileid.u32  }
0x60: {  	s1 =	rddreg [dreg:$0x1];
	p0 =	sne.s32 s2, $0x0  }
0x61: {  	s3 =	rddreg [dreg:$0x2];
	[bflag:$0x3] =	sbarrier.arrive $0xFFFF;
	s2 =	simm.s32 @!p0 $0x1C01  }
0x62: {  	[timem:s3], [sflag:s2] =	dma.local @!p0 [hbm:s0], s1  }
0x63: {  	s0 =	simm.s32 @!p0 $0x1  }
0x64: {  	_ =	swait.ge @!p0 [sflag:s0], s1  }
0x65: {  	s1 =	ssub.s32 @!p0 $0x0, s1;
	[sflag:s0] =	ssyncset.done @!p0 $0x0  }
0x66: {  	[sflag:s0] =	ssyncadd.s32 @!p0 s1  }
0x67: {  	[bflag:$0x3] =	sbarrier.arrive $0xFFFF  }
0x68: {  	_ =	shalt  }

</sc_bundles>
